<compile_context>
chip_gen: v7x
topology: tpu7x:2x2x1
jax: 0.10.2.dev20260603
libtpu: 0.0.44.dev20260713+nightly
codegen_flags: <defaults>
</compile_context>

<pallas_src>
import functools

import jax
import jax.numpy as jnp
from jax import lax
from jax.experimental import pallas as pl
from jax.experimental.pallas import tpu as pltpu
from jax.experimental.pallas import tpu_sc as plsc

_DIM = 64
_NC = 2
_NS = 16
_NW = _NC * _NS
_RPG = 128
_B = 4096 * 50
_PER_W = _B // _NW
_NJ = _PER_W // _RPG
_NBUF = 5
_NOUT = _NJ // _NBUF

_mesh = plsc.VectorSubcoreMesh(core_axis_name="c", subcore_axis_name="s")


@functools.partial(
    pl.kernel,
    mesh=_mesh,
    out_type=jax.ShapeDtypeStruct((_NW * _NJ, _RPG, _DIM), jnp.float32),
    scratch_types=[
        pltpu.VMEM((_NJ, _RPG), jnp.int32),
        pltpu.VMEM((_NBUF, _RPG, _DIM), jnp.float32),
        pltpu.SemaphoreType.DMA((_NBUF,)),
        pltpu.SemaphoreType.DMA((_NBUF,)),
    ],
    compiler_params=pltpu.CompilerParams(use_tc_tiling_on_sc=False),
)
def _gather(x_hbm, table_hbm, out_hbm, idx_v, rows_v, gsem, ssem):
    wid = lax.axis_index("s") * _NC + lax.axis_index("c")
    pltpu.sync_copy(x_hbm.at[wid], idx_v)

    for b in range(_NBUF):
        pltpu.async_copy(table_hbm.at[idx_v.at[b]], rows_v.at[b], gsem.at[b])

    def body(i, carry):
        base = i * _NBUF
        for b in range(_NBUF):
            j = base + b
            pltpu.make_async_copy(
                table_hbm.at[idx_v.at[j]], rows_v.at[b], gsem.at[b]
            ).wait()
            pltpu.async_copy(rows_v.at[b], out_hbm.at[wid * _NJ + j], ssem.at[b])

        @pl.when(i < _NOUT - 1)
        def _():
            for b in range(_NBUF):
                j2 = base + _NBUF + b
                pltpu.make_async_copy(
                    rows_v.at[b], out_hbm.at[wid * _NJ + base + b], ssem.at[b]
                ).wait()
                pltpu.async_copy(table_hbm.at[idx_v.at[j2]], rows_v.at[b], gsem.at[b])

        return carry

    lax.fori_loop(0, _NOUT, body, 0)

    base = (_NOUT - 1) * _NBUF
    for b in range(_NBUF):
        pltpu.make_async_copy(
            rows_v.at[b], out_hbm.at[wid * _NJ + base + b], ssem.at[b]
        ).wait()


def kernel(x, table):
    xi = x.reshape(_NW, _NJ, _RPG).astype(jnp.int32)
    out = _gather(xi, table)
    return out.reshape(4096, 50, _DIM)

# --- scband reference (transcript-rebuilt; emitter-appended) ---
"""Pipeline reference for scband-tag-net-11854109737342 (READ-ONLY COPY).

The authoritative reference and input builder live on the scoring server;
editing this copy changes nothing except your own understanding.
"""

import jax, jax.numpy as jnp
import numpy as np

NUM_EMBEDDINGS = 1000000
EMBEDDING_DIM = 64


def setup_inputs(seed: int = 0) -> dict:
    key = jax.random.key(seed)
    k_idx, k_tab = jax.random.split(key)
    x = jax.random.randint(k_idx, (4096, 50), 0, NUM_EMBEDDINGS, dtype=jnp.int64 if jax.config.jax_enable_x64 else jnp.int32)
    table = jax.random.normal(k_tab, (NUM_EMBEDDINGS, EMBEDDING_DIM), dtype=jnp.float32)
    return {"x": x, "table": table}


def reference(x, table):
    # nn.Embedding forward: simple row gather from the embedding table
    return jnp.take(table, x, axis=0)

if __name__ == "__main__":
    import jax
    _d = setup_inputs()
    print(jax.jit(kernel)(*tuple(_d.values())))

</pallas_src>

<mosaic_0001>
#map = affine_map<(d0, d1) -> (0, 0, 0)>
#map1 = affine_map<(d0, d1) -> (0, 0)>
module attributes {stable_mosaic.version = 14 : i64} {
  func.func @_gather(%arg0: i32, %arg1: i32, %arg2: memref<32x50x128xi32, #tpu.memory_space<hbm>>, %arg3: memref<1000000x64xf32, #tpu.memory_space<hbm>>, %arg4: memref<1600x128x64xf32, #tpu.memory_space<hbm>>, %arg5: memref<50x128xi32, #tpu.memory_space<vmem>>, %arg6: memref<5x128x64xf32, #tpu.memory_space<vmem>>, %arg7: memref<5x!tpu.dma_semaphore, #tpu.memory_space<semaphore_mem>>, %arg8: memref<5x!tpu.dma_semaphore, #tpu.memory_space<semaphore_mem>>) attributes {dimension_semantics = [#tpu.dimension_semantics<core_parallel>, #tpu.dimension_semantics<subcore_parallel>], iteration_bounds = array<i64: 2, 16>, scalar_prefetch = 0 : i64, scratch_operands = 4 : i64, tpu.core_type = #tpu.core_type<sc_vector_subcore>, window_params = [{transform_indices = #map}, {transform_indices = #map1}, {transform_indices = #map}]} {
    %mul3A = arith.constant 2 : i32
    %mul3A_0 = arith.muli %arg1, %mul3A : i32
    %add3A = arith.addi %mul3A_0, %arg0 : i32
    "tpu.region"() ({
      %run_scoped3A = tpu.sem_alloc : memref<!tpu.dma_semaphore, #tpu.memory_space<semaphore_mem>>
      %dma_start3A_209 = arith.constant 0 : i32
      %dma_start3A_210 = arith.constant 0 : i32
      %dma_start3A_211 = tpu.memref_slice %arg2[%add3A, %dma_start3A_209, %dma_start3A_210] : memref<32x50x128xi32, #tpu.memory_space<hbm>> -> memref<1x50x128xi32, #tpu.memory_space<hbm>>
      %dma_start3A_212 = tpu.memref_squeeze %dma_start3A_211 : memref<1x50x128xi32, #tpu.memory_space<hbm>> -> memref<50x128xi32, #tpu.memory_space<hbm>>
      %dma_start3A_213 = arith.constant 0 : i32
      %dma_start3A_214 = arith.constant 0 : i32
      %dma_start3A_215 = tpu.memref_slice %arg2[%add3A, %dma_start3A_213, %dma_start3A_214] : memref<32x50x128xi32, #tpu.memory_space<hbm>> -> memref<1x50x128xi32, #tpu.memory_space<hbm>>
      %dma_start3A_216 = tpu.memref_squeeze %dma_start3A_215 : memref<1x50x128xi32, #tpu.memory_space<hbm>> -> memref<50x128xi32, #tpu.memory_space<hbm>>
      tpu.enqueue_dma source(%dma_start3A_216 : memref<50x128xi32, #tpu.memory_space<hbm>>) target(%arg5 : memref<50x128xi32, #tpu.memory_space<vmem>>) target_semaphore(%run_scoped3A : memref<!tpu.dma_semaphore, #tpu.memory_space<semaphore_mem>>)
      %dma_wait3A_217 = arith.constant 0 : i32
      %dma_wait3A_218 = arith.constant 0 : i32
      %dma_wait3A_219 = tpu.memref_slice %arg2[%add3A, %dma_wait3A_217, %dma_wait3A_218] : memref<32x50x128xi32, #tpu.memory_space<hbm>> -> memref<1x50x128xi32, #tpu.memory_space<hbm>>
      %dma_wait3A_220 = tpu.memref_squeeze %dma_wait3A_219 : memref<1x50x128xi32, #tpu.memory_space<hbm>> -> memref<50x128xi32, #tpu.memory_space<hbm>>
      %dma_wait3A_221 = arith.constant 0 : i32
      %dma_wait3A_222 = arith.constant 0 : i32
      %dma_wait3A_223 = tpu.memref_slice %arg2[%add3A, %dma_wait3A_221, %dma_wait3A_222] : memref<32x50x128xi32, #tpu.memory_space<hbm>> -> memref<1x50x128xi32, #tpu.memory_space<hbm>>
      %dma_wait3A_224 = tpu.memref_squeeze %dma_wait3A_223 : memref<1x50x128xi32, #tpu.memory_space<hbm>> -> memref<50x128xi32, #tpu.memory_space<hbm>>
      tpu.wait_dma2 semaphore(%run_scoped3A : memref<!tpu.dma_semaphore, #tpu.memory_space<semaphore_mem>>) src(%dma_wait3A_224 : memref<50x128xi32, #tpu.memory_space<hbm>>) dst(%arg5 : memref<50x128xi32, #tpu.memory_space<vmem>>)
      tpu.yield
    }) : () -> ()
    %dma_start3A = arith.constant 0 : i32
    %dma_start3A_1 = arith.constant 0 : i32
    %dma_start3A_2 = arith.constant 0 : i32
    %dma_start3A_3 = arith.constant 0 : i32
    %dma_start3A_4 = arith.constant 0 : i32
    %dma_start3A_5 = tpu.memref_slice %arg6[%dma_start3A_1, %dma_start3A_3, %dma_start3A_4] : memref<5x128x64xf32, #tpu.memory_space<vmem>> -> memref<1x128x64xf32, #tpu.memory_space<vmem>>
    %dma_start3A_6 = tpu.memref_squeeze %dma_start3A_5 : memref<1x128x64xf32, #tpu.memory_space<vmem>> -> memref<128x64xf32, #tpu.memory_space<vmem>>
    %dma_start3A_7 = arith.constant 0 : i32
    %dma_start3A_8 = tpu.memref_slice %arg5[%dma_start3A, %dma_start3A_7] : memref<50x128xi32, #tpu.memory_space<vmem>> -> memref<1x128xi32, #tpu.memory_space<vmem>>
    %dma_start3A_9 = tpu.memref_squeeze %dma_start3A_8 : memref<1x128xi32, #tpu.memory_space<vmem>> -> memref<128xi32, #tpu.memory_space<vmem>>
    %dma_start3A_10 = arith.constant 0 : i32
    %dma_start3A_11 = arith.constant 0 : i32
    %dma_start3A_12 = tpu.memref_slice %arg3[%dma_start3A_10, %dma_start3A_11] : memref<1000000x64xf32, #tpu.memory_space<hbm>> -> memref<1000000x64xf32, #tpu.memory_space<hbm>>
    %dma_start3A_13 = tpu.memref_slice %arg7[%dma_start3A_2] : memref<5x!tpu.dma_semaphore, #tpu.memory_space<semaphore_mem>> -> memref<1x!tpu.dma_semaphore, #tpu.memory_space<semaphore_mem>>
    %dma_start3A_14 = tpu.memref_squeeze %dma_start3A_13 : memref<1x!tpu.dma_semaphore, #tpu.memory_space<semaphore_mem>> -> memref<!tpu.dma_semaphore, #tpu.memory_space<semaphore_mem>>
    tpu.enqueue_indirect_dma source(%dma_start3A_12 : memref<1000000x64xf32, #tpu.memory_space<hbm>>) target(%dma_start3A_6 : memref<128x64xf32, #tpu.memory_space<vmem>>) offsets(%dma_start3A_9 : memref<128xi32, #tpu.memory_space<vmem>>) semaphore(%dma_start3A_14 : memref<!tpu.dma_semaphore, #tpu.memory_space<semaphore_mem>>)
    %dma_start3A_15 = arith.constant 1 : i32
    %dma_start3A_16 = arith.constant 1 : i32
    %dma_start3A_17 = arith.constant 1 : i32
    %dma_start3A_18 = arith.constant 0 : i32
    %dma_start3A_19 = arith.constant 0 : i32
    %dma_start3A_20 = tpu.memref_slice %arg6[%dma_start3A_16, %dma_start3A_18, %dma_start3A_19] : memref<5x128x64xf32, #tpu.memory_space<vmem>> -> memref<1x128x64xf32, #tpu.memory_space<vmem>>
    %dma_start3A_21 = tpu.memref_squeeze %dma_start3A_20 : memref<1x128x64xf32, #tpu.memory_space<vmem>> -> memref<128x64xf32, #tpu.memory_space<vmem>>
    %dma_start3A_22 = arith.constant 0 : i32
    %dma_start3A_23 = tpu.memref_slice %arg5[%dma_start3A_15, %dma_start3A_22] : memref<50x128xi32, #tpu.memory_space<vmem>> -> memref<1x128xi32, #tpu.memory_space<vmem>>
    %dma_start3A_24 = tpu.memref_squeeze %dma_start3A_23 : memref<1x128xi32, #tpu.memory_space<vmem>> -> memref<128xi32, #tpu.memory_space<vmem>>
    %dma_start3A_25 = arith.constant 0 : i32
    %dma_start3A_26 = arith.constant 0 : i32
    %dma_start3A_27 = tpu.memref_slice %arg3[%dma_start3A_25, %dma_start3A_26] : memref<1000000x64xf32, #tpu.memory_space<hbm>> -> memref<1000000x64xf32, #tpu.memory_space<hbm>>
    %dma_start3A_28 = tpu.memref_slice %arg7[%dma_start3A_17] : memref<5x!tpu.dma_semaphore, #tpu.memory_space<semaphore_mem>> -> memref<1x!tpu.dma_semaphore, #tpu.memory_space<semaphore_mem>>
    %dma_start3A_29 = tpu.memref_squeeze %dma_start3A_28 : memref<1x!tpu.dma_semaphore, #tpu.memory_space<semaphore_mem>> -> memref<!tpu.dma_semaphore, #tpu.memory_space<semaphore_mem>>
    tpu.enqueue_indirect_dma source(%dma_start3A_27 : memref<1000000x64xf32, #tpu.memory_space<hbm>>) target(%dma_start3A_21 : memref<128x64xf32, #tpu.memory_space<vmem>>) offsets(%dma_start3A_24 : memref<128xi32, #tpu.memory_space<vmem>>) semaphore(%dma_start3A_29 : memref<!tpu.dma_semaphore, #tpu.memory_space<semaphore_mem>>)
    %dma_start3A_30 = arith.constant 2 : i32
    %dma_start3A_31 = arith.constant 2 : i32
    %dma_start3A_32 = arith.constant 2 : i32
    %dma_start3A_33 = arith.constant 0 : i32
    %dma_start3A_34 = arith.constant 0 : i32
    %dma_start3A_35 = tpu.memref_slice %arg6[%dma_start3A_31, %dma_start3A_33, %dma_start3A_34] : memref<5x128x64xf32, #tpu.memory_space<vmem>> -> memref<1x128x64xf32, #tpu.memory_space<vmem>>
    %dma_start3A_36 = tpu.memref_squeeze %dma_start3A_35 : memref<1x128x64xf32, #tpu.memory_space<vmem>> -> memref<128x64xf32, #tpu.memory_space<vmem>>
    %dma_start3A_37 = arith.constant 0 : i32
    %dma_start3A_38 = tpu.memref_slice %arg5[%dma_start3A_30, %dma_start3A_37] : memref<50x128xi32, #tpu.memory_space<vmem>> -> memref<1x128xi32, #tpu.memory_space<vmem>>
    %dma_start3A_39 = tpu.memref_squeeze %dma_start3A_38 : memref<1x128xi32, #tpu.memory_space<vmem>> -> memref<128xi32, #tpu.memory_space<vmem>>
    %dma_start3A_40 = arith.constant 0 : i32
    %dma_start3A_41 = arith.constant 0 : i32
    %dma_start3A_42 = tpu.memref_slice %arg3[%dma_start3A_40, %dma_start3A_41] : memref<1000000x64xf32, #tpu.memory_space<hbm>> -> memref<1000000x64xf32, #tpu.memory_space<hbm>>
    %dma_start3A_43 = tpu.memref_slice %arg7[%dma_start3A_32] : memref<5x!tpu.dma_semaphore, #tpu.memory_space<semaphore_mem>> -> memref<1x!tpu.dma_semaphore, #tpu.memory_space<semaphore_mem>>
    %dma_start3A_44 = tpu.memref_squeeze %dma_start3A_43 : memref<1x!tpu.dma_semaphore, #tpu.memory_space<semaphore_mem>> -> memref<!tpu.dma_semaphore, #tpu.memory_space<semaphore_mem>>
    tpu.enqueue_indirect_dma source(%dma_start3A_42 : memref<1000000x64xf32, #tpu.memory_space<hbm>>) target(%dma_start3A_36 : memref<128x64xf32, #tpu.memory_space<vmem>>) offsets(%dma_start3A_39 : memref<128xi32, #tpu.memory_space<vmem>>) semaphore(%dma_start3A_44 : memref<!tpu.dma_semaphore, #tpu.memory_space<semaphore_mem>>)
    %dma_start3A_45 = arith.constant 3 : i32
    %dma_start3A_46 = arith.constant 3 : i32
    %dma_start3A_47 = arith.constant 3 : i32
    %dma_start3A_48 = arith.constant 0 : i32
    %dma_start3A_49 = arith.constant 0 : i32
    %dma_start3A_50 = tpu.memref_slice %arg6[%dma_start3A_46, %dma_start3A_48, %dma_start3A_49] : memref<5x128x64xf32, #tpu.memory_space<vmem>> -> memref<1x128x64xf32, #tpu.memory_space<vmem>>
    %dma_start3A_51 = tpu.memref_squeeze %dma_start3A_50 : memref<1x128x64xf32, #tpu.memory_space<vmem>> -> memref<128x64xf32, #tpu.memory_space<vmem>>
    %dma_start3A_52 = arith.constant 0 : i32
    %dma_start3A_53 = tpu.memref_slice %arg5[%dma_start3A_45, %dma_start3A_52] : memref<50x128xi32, #tpu.memory_space<vmem>> -> memref<1x128xi32, #tpu.memory_space<vmem>>
    %dma_start3A_54 = tpu.memref_squeeze %dma_start3A_53 : memref<1x128xi32, #tpu.memory_space<vmem>> -> memref<128xi32, #tpu.memory_space<vmem>>
    %dma_start3A_55 = arith.constant 0 : i32
    %dma_start3A_56 = arith.constant 0 : i32
    %dma_start3A_57 = tpu.memref_slice %arg3[%dma_start3A_55, %dma_start3A_56] : memref<1000000x64xf32, #tpu.memory_space<hbm>> -> memref<1000000x64xf32, #tpu.memory_space<hbm>>
    %dma_start3A_58 = tpu.memref_slice %arg7[%dma_start3A_47] : memref<5x!tpu.dma_semaphore, #tpu.memory_space<semaphore_mem>> -> memref<1x!tpu.dma_semaphore, #tpu.memory_space<semaphore_mem>>
    %dma_start3A_59 = tpu.memref_squeeze %dma_start3A_58 : memref<1x!tpu.dma_semaphore, #tpu.memory_space<semaphore_mem>> -> memref<!tpu.dma_semaphore, #tpu.memory_space<semaphore_mem>>
    tpu.enqueue_indirect_dma source(%dma_start3A_57 : memref<1000000x64xf32, #tpu.memory_space<hbm>>) target(%dma_start3A_51 : memref<128x64xf32, #tpu.memory_space<vmem>>) offsets(%dma_start3A_54 : memref<128xi32, #tpu.memory_space<vmem>>) semaphore(%dma_start3A_59 : memref<!tpu.dma_semaphore, #tpu.memory_space<semaphore_mem>>)
    %dma_start3A_60 = arith.constant 4 : i32
    %dma_start3A_61 = arith.constant 4 : i32
    %dma_start3A_62 = arith.constant 4 : i32
    %dma_start3A_63 = arith.constant 0 : i32
    %dma_start3A_64 = arith.constant 0 : i32
    %dma_start3A_65 = tpu.memref_slice %arg6[%dma_start3A_61, %dma_start3A_63, %dma_start3A_64] : memref<5x128x64xf32, #tpu.memory_space<vmem>> -> memref<1x128x64xf32, #tpu.memory_space<vmem>>
    %dma_start3A_66 = tpu.memref_squeeze %dma_start3A_65 : memref<1x128x64xf32, #tpu.memory_space<vmem>> -> memref<128x64xf32, #tpu.memory_space<vmem>>
    %dma_start3A_67 = arith.constant 0 : i32
    %dma_start3A_68 = tpu.memref_slice %arg5[%dma_start3A_60, %dma_start3A_67] : memref<50x128xi32, #tpu.memory_space<vmem>> -> memref<1x128xi32, #tpu.memory_space<vmem>>
    %dma_start3A_69 = tpu.memref_squeeze %dma_start3A_68 : memref<1x128xi32, #tpu.memory_space<vmem>> -> memref<128xi32, #tpu.memory_space<vmem>>
    %dma_start3A_70 = arith.constant 0 : i32
    %dma_start3A_71 = arith.constant 0 : i32
    %dma_start3A_72 = tpu.memref_slice %arg3[%dma_start3A_70, %dma_start3A_71] : memref<1000000x64xf32, #tpu.memory_space<hbm>> -> memref<1000000x64xf32, #tpu.memory_space<hbm>>
    %dma_start3A_73 = tpu.memref_slice %arg7[%dma_start3A_62] : memref<5x!tpu.dma_semaphore, #tpu.memory_space<semaphore_mem>> -> memref<1x!tpu.dma_semaphore, #tpu.memory_space<semaphore_mem>>
    %dma_start3A_74 = tpu.memref_squeeze %dma_start3A_73 : memref<1x!tpu.dma_semaphore, #tpu.memory_space<semaphore_mem>> -> memref<!tpu.dma_semaphore, #tpu.memory_space<semaphore_mem>>
    tpu.enqueue_indirect_dma source(%dma_start3A_72 : memref<1000000x64xf32, #tpu.memory_space<hbm>>) target(%dma_start3A_66 : memref<128x64xf32, #tpu.memory_space<vmem>>) offsets(%dma_start3A_69 : memref<128xi32, #tpu.memory_space<vmem>>) semaphore(%dma_start3A_74 : memref<!tpu.dma_semaphore, #tpu.memory_space<semaphore_mem>>)
    %scan3A = arith.constant 0 : i32
    %scan3A_75 = arith.constant 0 : i32
    %scan3A_76 = arith.constant 10 : i32
    %scan3A_77 = arith.addi %scan3A_75, %scan3A_76 : i32
    %scan3A_78 = arith.constant 1 : i32
    scf.for %scan3A_209 = %scan3A_75 to %scan3A_77 step %scan3A_78  : i32 {
      %mul3A_210 = arith.constant 5 : i32
      %mul3A_211 = arith.muli %scan3A_209, %mul3A_210 : i32
      %add3A_212 = arith.constant 0 : i32
      %add3A_213 = arith.addi %mul3A_211, %add3A_212 : i32
      %dma_wait3A_214 = arith.constant 0 : i32
      %dma_wait3A_215 = arith.constant 0 : i32
      %dma_wait3A_216 = arith.constant 0 : i32
      %dma_wait3A_217 = arith.constant 0 : i32
      %dma_wait3A_218 = tpu.memref_slice %arg6[%dma_wait3A_214, %dma_wait3A_216, %dma_wait3A_217] : memref<5x128x64xf32, #tpu.memory_space<vmem>> -> memref<1x128x64xf32, #tpu.memory_space<vmem>>
      %dma_wait3A_219 = tpu.memref_squeeze %dma_wait3A_218 : memref<1x128x64xf32, #tpu.memory_space<vmem>> -> memref<128x64xf32, #tpu.memory_space<vmem>>
      %dma_wait3A_220 = arith.constant 0 : i32
      %dma_wait3A_221 = tpu.memref_slice %arg5[%add3A_213, %dma_wait3A_220] : memref<50x128xi32, #tpu.memory_space<vmem>> -> memref<1x128xi32, #tpu.memory_space<vmem>>
      %dma_wait3A_222 = tpu.memref_squeeze %dma_wait3A_221 : memref<1x128xi32, #tpu.memory_space<vmem>> -> memref<128xi32, #tpu.memory_space<vmem>>
      %dma_wait3A_223 = arith.constant 0 : i32
      %dma_wait3A_224 = arith.constant 0 : i32
      %dma_wait3A_225 = tpu.memref_slice %arg3[%dma_wait3A_223, %dma_wait3A_224] : memref<1000000x64xf32, #tpu.memory_space<hbm>> -> memref<1000000x64xf32, #tpu.memory_space<hbm>>
      %dma_wait3A_226 = tpu.memref_slice %arg7[%dma_wait3A_215] : memref<5x!tpu.dma_semaphore, #tpu.memory_space<semaphore_mem>> -> memref<1x!tpu.dma_semaphore, #tpu.memory_space<semaphore_mem>>
      %dma_wait3A_227 = tpu.memref_squeeze %dma_wait3A_226 : memref<1x!tpu.dma_semaphore, #tpu.memory_space<semaphore_mem>> -> memref<!tpu.dma_semaphore, #tpu.memory_space<semaphore_mem>>
      tpu.wait_indirect_dma semaphore(%dma_wait3A_227 : memref<!tpu.dma_semaphore, #tpu.memory_space<semaphore_mem>>) src(%dma_wait3A_225 : memref<1000000x64xf32, #tpu.memory_space<hbm>>) dst(%dma_wait3A_219 : memref<128x64xf32, #tpu.memory_space<vmem>>)
      %mul3A_228 = arith.constant 50 : i32
      %mul3A_229 = arith.muli %add3A, %mul3A_228 : i32
      %add3A_230 = arith.addi %mul3A_229, %add3A_213 : i32
      %dma_start3A_231 = arith.constant 0 : i32
      %dma_start3A_232 = arith.constant 0 : i32
      %dma_start3A_233 = arith.constant 0 : i32
      %dma_start3A_234 = arith.constant 0 : i32
      %dma_start3A_235 = tpu.memref_slice %arg6[%dma_start3A_231, %dma_start3A_233, %dma_start3A_234] : memref<5x128x64xf32, #tpu.memory_space<vmem>> -> memref<1x128x64xf32, #tpu.memory_space<vmem>>
      %dma_start3A_236 = tpu.memref_squeeze %dma_start3A_235 : memref<1x128x64xf32, #tpu.memory_space<vmem>> -> memref<128x64xf32, #tpu.memory_space<vmem>>
      %dma_start3A_237 = arith.constant 0 : i32
      %dma_start3A_238 = arith.constant 0 : i32
      %dma_start3A_239 = tpu.memref_slice %arg4[%add3A_230, %dma_start3A_237, %dma_start3A_238] : memref<1600x128x64xf32, #tpu.memory_space<hbm>> -> memref<1x128x64xf32, #tpu.memory_space<hbm>>
      %dma_start3A_240 = tpu.memref_squeeze %dma_start3A_239 : memref<1x128x64xf32, #tpu.memory_space<hbm>> -> memref<128x64xf32, #tpu.memory_space<hbm>>
      %dma_start3A_241 = tpu.memref_slice %arg8[%dma_start3A_232] : memref<5x!tpu.dma_semaphore, #tpu.memory_space<semaphore_mem>> -> memref<1x!tpu.dma_semaphore, #tpu.memory_space<semaphore_mem>>
      %dma_start3A_242 = tpu.memref_squeeze %dma_start3A_241 : memref<1x!tpu.dma_semaphore, #tpu.memory_space<semaphore_mem>> -> memref<!tpu.dma_semaphore, #tpu.memory_space<semaphore_mem>>
      %dma_start3A_243 = arith.constant 0 : i32
      %dma_start3A_244 = arith.constant 0 : i32
      %dma_start3A_245 = tpu.memref_slice %arg4[%add3A_230, %dma_start3A_243, %dma_start3A_244] : memref<1600x128x64xf32, #tpu.memory_space<hbm>> -> memref<1x128x64xf32, #tpu.memory_space<hbm>>
      %dma_start3A_246 = tpu.memref_squeeze %dma_start3A_245 : memref<1x128x64xf32, #tpu.memory_space<hbm>> -> memref<128x64xf32, #tpu.memory_space<hbm>>
      %dma_start3A_247 = arith.constant 0 : i32
      %dma_start3A_248 = arith.constant 0 : i32
      %dma_start3A_249 = tpu.memref_slice %arg6[%dma_start3A_231, %dma_start3A_247, %dma_start3A_248] : memref<5x128x64xf32, #tpu.memory_space<vmem>> -> memref<1x128x64xf32, #tpu.memory_space<vmem>>
      %dma_start3A_250 = tpu.memref_squeeze %dma_start3A_249 : memref<1x128x64xf32, #tpu.memory_space<vmem>> -> memref<128x64xf32, #tpu.memory_space<vmem>>
      tpu.enqueue_dma source(%dma_start3A_250 : memref<128x64xf32, #tpu.memory_space<vmem>>) target(%dma_start3A_246 : memref<128x64xf32, #tpu.memory_space<hbm>>) target_semaphore(%dma_start3A_242 : memref<!tpu.dma_semaphore, #tpu.memory_space<semaphore_mem>>)
      %add3A_251 = arith.constant 1 : i32
      %add3A_252 = arith.addi %mul3A_211, %add3A_251 : i32
      %dma_wait3A_253 = arith.constant 1 : i32
      %dma_wait3A_254 = arith.constant 1 : i32
      %dma_wait3A_255 = arith.constant 0 : i32
      %dma_wait3A_256 = arith.constant 0 : i32
      %dma_wait3A_257 = tpu.memref_slice %arg6[%dma_wait3A_253, %dma_wait3A_255, %dma_wait3A_256] : memref<5x128x64xf32, #tpu.memory_space<vmem>> -> memref<1x128x64xf32, #tpu.memory_space<vmem>>
      %dma_wait3A_258 = tpu.memref_squeeze %dma_wait3A_257 : memref<1x128x64xf32, #tpu.memory_space<vmem>> -> memref<128x64xf32, #tpu.memory_space<vmem>>
      %dma_wait3A_259 = arith.constant 0 : i32
      %dma_wait3A_260 = tpu.memref_slice %arg5[%add3A_252, %dma_wait3A_259] : memref<50x128xi32, #tpu.memory_space<vmem>> -> memref<1x128xi32, #tpu.memory_space<vmem>>
      %dma_wait3A_261 = tpu.memref_squeeze %dma_wait3A_260 : memref<1x128xi32, #tpu.memory_space<vmem>> -> memref<128xi32, #tpu.memory_space<vmem>>
      %dma_wait3A_262 = arith.constant 0 : i32
      %dma_wait3A_263 = arith.constant 0 : i32
      %dma_wait3A_264 = tpu.memref_slice %arg3[%dma_wait3A_262, %dma_wait3A_263] : memref<1000000x64xf32, #tpu.memory_space<hbm>> -> memref<1000000x64xf32, #tpu.memory_space<hbm>>
      %dma_wait3A_265 = tpu.memref_slice %arg7[%dma_wait3A_254] : memref<5x!tpu.dma_semaphore, #tpu.memory_space<semaphore_mem>> -> memref<1x!tpu.dma_semaphore, #tpu.memory_space<semaphore_mem>>
      %dma_wait3A_266 = tpu.memref_squeeze %dma_wait3A_265 : memref<1x!tpu.dma_semaphore, #tpu.memory_space<semaphore_mem>> -> memref<!tpu.dma_semaphore, #tpu.memory_space<semaphore_mem>>
      tpu.wait_indirect_dma semaphore(%dma_wait3A_266 : memref<!tpu.dma_semaphore, #tpu.memory_space<semaphore_mem>>) src(%dma_wait3A_264 : memref<1000000x64xf32, #tpu.memory_space<hbm>>) dst(%dma_wait3A_258 : memref<128x64xf32, #tpu.memory_space<vmem>>)
      %mul3A_267 = arith.constant 50 : i32
      %mul3A_268 = arith.muli %add3A, %mul3A_267 : i32
      %add3A_269 = arith.addi %mul3A_268, %add3A_252 : i32
      %dma_start3A_270 = arith.constant 1 : i32
      %dma_start3A_271 = arith.constant 1 : i32
      %dma_start3A_272 = arith.constant 0 : i32
      %dma_start3A_273 = arith.constant 0 : i32
      %dma_start3A_274 = tpu.memref_slice %arg6[%dma_start3A_270, %dma_start3A_272, %dma_start3A_273] : memref<5x128x64xf32, #tpu.memory_space<vmem>> -> memref<1x128x64xf32, #tpu.memory_space<vmem>>
      %dma_start3A_275 = tpu.memref_squeeze %dma_start3A_274 : memref<1x128x64xf32, #tpu.memory_space<vmem>> -> memref<128x64xf32, #tpu.memory_space<vmem>>
      %dma_start3A_276 = arith.constant 0 : i32
      %dma_start3A_277 = arith.constant 0 : i32
      %dma_start3A_278 = tpu.memref_slice %arg4[%add3A_269, %dma_start3A_276, %dma_start3A_277] : memref<1600x128x64xf32, #tpu.memory_space<hbm>> -> memref<1x128x64xf32, #tpu.memory_space<hbm>>
      %dma_start3A_279 = tpu.memref_squeeze %dma_start3A_278 : memref<1x128x64xf32, #tpu.memory_space<hbm>> -> memref<128x64xf32, #tpu.memory_space<hbm>>
      %dma_start3A_280 = tpu.memref_slice %arg8[%dma_start3A_271] : memref<5x!tpu.dma_semaphore, #tpu.memory_space<semaphore_mem>> -> memref<1x!tpu.dma_semaphore, #tpu.memory_space<semaphore_mem>>
      %dma_start3A_281 = tpu.memref_squeeze %dma_start3A_280 : memref<1x!tpu.dma_semaphore, #tpu.memory_space<semaphore_mem>> -> memref<!tpu.dma_semaphore, #tpu.memory_space<semaphore_mem>>
      %dma_start3A_282 = arith.constant 0 : i32
      %dma_start3A_283 = arith.constant 0 : i32
      %dma_start3A_284 = tpu.memref_slice %arg4[%add3A_269, %dma_start3A_282, %dma_start3A_283] : memref<1600x128x64xf32, #tpu.memory_space<hbm>> -> memref<1x128x64xf32, #tpu.memory_space<hbm>>
      %dma_start3A_285 = tpu.memref_squeeze %dma_start3A_284 : memref<1x128x64xf32, #tpu.memory_space<hbm>> -> memref<128x64xf32, #tpu.memory_space<hbm>>
      %dma_start3A_286 = arith.constant 0 : i32
      %dma_start3A_287 = arith.constant 0 : i32
      %dma_start3A_288 = tpu.memref_slice %arg6[%dma_start3A_270, %dma_start3A_286, %dma_start3A_287] : memref<5x128x64xf32, #tpu.memory_space<vmem>> -> memref<1x128x64xf32, #tpu.memory_space<vmem>>
      %dma_start3A_289 = tpu.memref_squeeze %dma_start3A_288 : memref<1x128x64xf32, #tpu.memory_space<vmem>> -> memref<128x64xf32, #tpu.memory_space<vmem>>
      tpu.enqueue_dma source(%dma_start3A_289 : memref<128x64xf32, #tpu.memory_space<vmem>>) target(%dma_start3A_285 : memref<128x64xf32, #tpu.memory_space<hbm>>) target_semaphore(%dma_start3A_281 : memref<!tpu.dma_semaphore, #tpu.memory_space<semaphore_mem>>)
      %add3A_290 = arith.constant 2 : i32
      %add3A_291 = arith.addi %mul3A_211, %add3A_290 : i32
      %dma_wait3A_292 = arith.constant 2 : i32
      %dma_wait3A_293 = arith.constant 2 : i32
      %dma_wait3A_294 = arith.constant 0 : i32
      %dma_wait3A_295 = arith.constant 0 : i32
      %dma_wait3A_296 = tpu.memref_slice %arg6[%dma_wait3A_292, %dma_wait3A_294, %dma_wait3A_295] : memref<5x128x64xf32, #tpu.memory_space<vmem>> -> memref<1x128x64xf32, #tpu.memory_space<vmem>>
      %dma_wait3A_297 = tpu.memref_squeeze %dma_wait3A_296 : memref<1x128x64xf32, #tpu.memory_space<vmem>> -> memref<128x64xf32, #tpu.memory_space<vmem>>
      %dma_wait3A_298 = arith.constant 0 : i32
      %dma_wait3A_299 = tpu.memref_slice %arg5[%add3A_291, %dma_wait3A_298] : memref<50x128xi32, #tpu.memory_space<vmem>> -> memref<1x128xi32, #tpu.memory_space<vmem>>
      %dma_wait3A_300 = tpu.memref_squeeze %dma_wait3A_299 : memref<1x128xi32, #tpu.memory_space<vmem>> -> memref<128xi32, #tpu.memory_space<vmem>>
      %dma_wait3A_301 = arith.constant 0 : i32
      %dma_wait3A_302 = arith.constant 0 : i32
      %dma_wait3A_303 = tpu.memref_slice %arg3[%dma_wait3A_301, %dma_wait3A_302] : memref<1000000x64xf32, #tpu.memory_space<hbm>> -> memref<1000000x64xf32, #tpu.memory_space<hbm>>
      %dma_wait3A_304 = tpu.memref_slice %arg7[%dma_wait3A_293] : memref<5x!tpu.dma_semaphore, #tpu.memory_space<semaphore_mem>> -> memref<1x!tpu.dma_semaphore, #tpu.memory_space<semaphore_mem>>
      %dma_wait3A_305 = tpu.memref_squeeze %dma_wait3A_304 : memref<1x!tpu.dma_semaphore, #tpu.memory_space<semaphore_mem>> -> memref<!tpu.dma_semaphore, #tpu.memory_space<semaphore_mem>>
      tpu.wait_indirect_dma semaphore(%dma_wait3A_305 : memref<!tpu.dma_semaphore, #tpu.memory_space<semaphore_mem>>) src(%dma_wait3A_303 : memref<1000000x64xf32, #tpu.memory_space<hbm>>) dst(%dma_wait3A_297 : memref<128x64xf32, #tpu.memory_space<vmem>>)
      %mul3A_306 = arith.constant 50 : i32
      %mul3A_307 = arith.muli %add3A, %mul3A_306 : i32
      %add3A_308 = arith.addi %mul3A_307, %add3A_291 : i32
      %dma_start3A_309 = arith.constant 2 : i32
      %dma_start3A_310 = arith.constant 2 : i32
      %dma_start3A_311 = arith.constant 0 : i32
      %dma_start3A_312 = arith.constant 0 : i32
      %dma_start3A_313 = tpu.memref_slice %arg6[%dma_start3A_309, %dma_start3A_311, %dma_start3A_312] : memref<5x128x64xf32, #tpu.memory_space<vmem>> -> memref<1x128x64xf32, #tpu.memory_space<vmem>>
      %dma_start3A_314 = tpu.memref_squeeze %dma_start3A_313 : memref<1x128x64xf32, #tpu.memory_space<vmem>> -> memref<128x64xf32, #tpu.memory_space<vmem>>
      %dma_start3A_315 = arith.constant 0 : i32
      %dma_start3A_316 = arith.constant 0 : i32
      %dma_start3A_317 = tpu.memref_slice %arg4[%add3A_308, %dma_start3A_315, %dma_start3A_316] : memref<1600x128x64xf32, #tpu.memory_space<hbm>> -> memref<1x128x64xf32, #tpu.memory_space<hbm>>
      %dma_start3A_318 = tpu.memref_squeeze %dma_start3A_317 : memref<1x128x64xf32, #tpu.memory_space<hbm>> -> memref<128x64xf32, #tpu.memory_space<hbm>>
      %dma_start3A_319 = tpu.memref_slice %arg8[%dma_start3A_310] : memref<5x!tpu.dma_semaphore, #tpu.memory_space<semaphore_mem>> -> memref<1x!tpu.dma_semaphore, #tpu.memory_space<semaphore_mem>>
      %dma_start3A_320 = tpu.memref_squeeze %dma_start3A_319 : memref<1x!tpu.dma_semaphore, #tpu.memory_space<semaphore_mem>> -> memref<!tpu.dma_semaphore, #tpu.memory_space<semaphore_mem>>
      %dma_start3A_321 = arith.constant 0 : i32
      %dma_start3A_322 = arith.constant 0 : i32
      %dma_start3A_323 = tpu.memref_slice %arg4[%add3A_308, %dma_start3A_321, %dma_start3A_322] : memref<1600x128x64xf32, #tpu.memory_space<hbm>> -> memref<1x128x64xf32, #tpu.memory_space<hbm>>
      %dma_start3A_324 = tpu.memref_squeeze %dma_start3A_323 : memref<1x128x64xf32, #tpu.memory_space<hbm>> -> memref<128x64xf32, #tpu.memory_space<hbm>>
      %dma_start3A_325 = arith.constant 0 : i32
      %dma_start3A_326 = arith.constant 0 : i32
      %dma_start3A_327 = tpu.memref_slice %arg6[%dma_start3A_309, %dma_start3A_325, %dma_start3A_326] : memref<5x128x64xf32, #tpu.memory_space<vmem>> -> memref<1x128x64xf32, #tpu.memory_space<vmem>>
      %dma_start3A_328 = tpu.memref_squeeze %dma_start3A_327 : memref<1x128x64xf32, #tpu.memory_space<vmem>> -> memref<128x64xf32, #tpu.memory_space<vmem>>
      tpu.enqueue_dma source(%dma_start3A_328 : memref<128x64xf32, #tpu.memory_space<vmem>>) target(%dma_start3A_324 : memref<128x64xf32, #tpu.memory_space<hbm>>) target_semaphore(%dma_start3A_320 : memref<!tpu.dma_semaphore, #tpu.memory_space<semaphore_mem>>)
      %add3A_329 = arith.constant 3 : i32
      %add3A_330 = arith.addi %mul3A_211, %add3A_329 : i32
      %dma_wait3A_331 = arith.constant 3 : i32
      %dma_wait3A_332 = arith.constant 3 : i32
      %dma_wait3A_333 = arith.constant 0 : i32
      %dma_wait3A_334 = arith.constant 0 : i32
      %dma_wait3A_335 = tpu.memref_slice %arg6[%dma_wait3A_331, %dma_wait3A_333, %dma_wait3A_334] : memref<5x128x64xf32, #tpu.memory_space<vmem>> -> memref<1x128x64xf32, #tpu.memory_space<vmem>>
      %dma_wait3A_336 = tpu.memref_squeeze %dma_wait3A_335 : memref<1x128x64xf32, #tpu.memory_space<vmem>> -> memref<128x64xf32, #tpu.memory_space<vmem>>
      %dma_wait3A_337 = arith.constant 0 : i32
      %dma_wait3A_338 = tpu.memref_slice %arg5[%add3A_330, %dma_wait3A_337] : memref<50x128xi32, #tpu.memory_space<vmem>> -> memref<1x128xi32, #tpu.memory_space<vmem>>
      %dma_wait3A_339 = tpu.memref_squeeze %dma_wait3A_338 : memref<1x128xi32, #tpu.memory_space<vmem>> -> memref<128xi32, #tpu.memory_space<vmem>>
      %dma_wait3A_340 = arith.constant 0 : i32
      %dma_wait3A_341 = arith.constant 0 : i32
      %dma_wait3A_342 = tpu.memref_slice %arg3[%dma_wait3A_340, %dma_wait3A_341] : memref<1000000x64xf32, #tpu.memory_space<hbm>> -> memref<1000000x64xf32, #tpu.memory_space<hbm>>
      %dma_wait3A_343 = tpu.memref_slice %arg7[%dma_wait3A_332] : memref<5x!tpu.dma_semaphore, #tpu.memory_space<semaphore_mem>> -> memref<1x!tpu.dma_semaphore, #tpu.memory_space<semaphore_mem>>
      %dma_wait3A_344 = tpu.memref_squeeze %dma_wait3A_343 : memref<1x!tpu.dma_semaphore, #tpu.memory_space<semaphore_mem>> -> memref<!tpu.dma_semaphore, #tpu.memory_space<semaphore_mem>>
      tpu.wait_indirect_dma semaphore(%dma_wait3A_344 : memref<!tpu.dma_semaphore, #tpu.memory_space<semaphore_mem>>) src(%dma_wait3A_342 : memref<1000000x64xf32, #tpu.memory_space<hbm>>) dst(%dma_wait3A_336 : memref<128x64xf32, #tpu.memory_space<vmem>>)
      %mul3A_345 = arith.constant 50 : i32
      %mul3A_346 = arith.muli %add3A, %mul3A_345 : i32
      %add3A_347 = arith.addi %mul3A_346, %add3A_330 : i32
      %dma_start3A_348 = arith.constant 3 : i32
      %dma_start3A_349 = arith.constant 3 : i32
      %dma_start3A_350 = arith.constant 0 : i32
      %dma_start3A_351 = arith.constant 0 : i32
      %dma_start3A_352 = tpu.memref_slice %arg6[%dma_start3A_348, %dma_start3A_350, %dma_start3A_351] : memref<5x128x64xf32, #tpu.memory_space<vmem>> -> memref<1x128x64xf32, #tpu.memory_space<vmem>>
      %dma_start3A_353 = tpu.memref_squeeze %dma_start3A_352 : memref<1x128x64xf32, #tpu.memory_space<vmem>> -> memref<128x64xf32, #tpu.memory_space<vmem>>
      %dma_start3A_354 = arith.constant 0 : i32
      %dma_start3A_355 = arith.constant 0 : i32
      %dma_start3A_356 = tpu.memref_slice %arg4[%add3A_347, %dma_start3A_354, %dma_start3A_355] : memref<1600x128x64xf32, #tpu.memory_space<hbm>> -> memref<1x128x64xf32, #tpu.memory_space<hbm>>
      %dma_start3A_357 = tpu.memref_squeeze %dma_start3A_356 : memref<1x128x64xf32, #tpu.memory_space<hbm>> -> memref<128x64xf32, #tpu.memory_space<hbm>>
      %dma_start3A_358 = tpu.memref_slice %arg8[%dma_start3A_349] : memref<5x!tpu.dma_semaphore, #tpu.memory_space<semaphore_mem>> -> memref<1x!tpu.dma_semaphore, #tpu.memory_space<semaphore_mem>>
      %dma_start3A_359 = tpu.memref_squeeze %dma_start3A_358 : memref<1x!tpu.dma_semaphore, #tpu.memory_space<semaphore_mem>> -> memref<!tpu.dma_semaphore, #tpu.memory_space<semaphore_mem>>
      %dma_start3A_360 = arith.constant 0 : i32
      %dma_start3A_361 = arith.constant 0 : i32
      %dma_start3A_362 = tpu.memref_slice %arg4[%add3A_347, %dma_start3A_360, %dma_start3A_361] : memref<1600x128x64xf32, #tpu.memory_space<hbm>> -> memref<1x128x64xf32, #tpu.memory_space<hbm>>
      %dma_start3A_363 = tpu.memref_squeeze %dma_start3A_362 : memref<1x128x64xf32, #tpu.memory_space<hbm>> -> memref<128x64xf32, #tpu.memory_space<hbm>>
      %dma_start3A_364 = arith.constant 0 : i32
      %dma_start3A_365 = arith.constant 0 : i32
      %dma_start3A_366 = tpu.memref_slice %arg6[%dma_start3A_348, %dma_start3A_364, %dma_start3A_365] : memref<5x128x64xf32, #tpu.memory_space<vmem>> -> memref<1x128x64xf32, #tpu.memory_space<vmem>>
      %dma_start3A_367 = tpu.memref_squeeze %dma_start3A_366 : memref<1x128x64xf32, #tpu.memory_space<vmem>> -> memref<128x64xf32, #tpu.memory_space<vmem>>
      tpu.enqueue_dma source(%dma_start3A_367 : memref<128x64xf32, #tpu.memory_space<vmem>>) target(%dma_start3A_363 : memref<128x64xf32, #tpu.memory_space<hbm>>) target_semaphore(%dma_start3A_359 : memref<!tpu.dma_semaphore, #tpu.memory_space<semaphore_mem>>)
      %add3A_368 = arith.constant 4 : i32
      %add3A_369 = arith.addi %mul3A_211, %add3A_368 : i32
      %dma_wait3A_370 = arith.constant 4 : i32
      %dma_wait3A_371 = arith.constant 4 : i32
      %dma_wait3A_372 = arith.constant 0 : i32
      %dma_wait3A_373 = arith.constant 0 : i32
      %dma_wait3A_374 = tpu.memref_slice %arg6[%dma_wait3A_370, %dma_wait3A_372, %dma_wait3A_373] : memref<5x128x64xf32, #tpu.memory_space<vmem>> -> memref<1x128x64xf32, #tpu.memory_space<vmem>>
      %dma_wait3A_375 = tpu.memref_squeeze %dma_wait3A_374 : memref<1x128x64xf32, #tpu.memory_space<vmem>> -> memref<128x64xf32, #tpu.memory_space<vmem>>
      %dma_wait3A_376 = arith.constant 0 : i32
      %dma_wait3A_377 = tpu.memref_slice %arg5[%add3A_369, %dma_wait3A_376] : memref<50x128xi32, #tpu.memory_space<vmem>> -> memref<1x128xi32, #tpu.memory_space<vmem>>
      %dma_wait3A_378 = tpu.memref_squeeze %dma_wait3A_377 : memref<1x128xi32, #tpu.memory_space<vmem>> -> memref<128xi32, #tpu.memory_space<vmem>>
      %dma_wait3A_379 = arith.constant 0 : i32
      %dma_wait3A_380 = arith.constant 0 : i32
      %dma_wait3A_381 = tpu.memref_slice %arg3[%dma_wait3A_379, %dma_wait3A_380] : memref<1000000x64xf32, #tpu.memory_space<hbm>> -> memref<1000000x64xf32, #tpu.memory_space<hbm>>
      %dma_wait3A_382 = tpu.memref_slice %arg7[%dma_wait3A_371] : memref<5x!tpu.dma_semaphore, #tpu.memory_space<semaphore_mem>> -> memref<1x!tpu.dma_semaphore, #tpu.memory_space<semaphore_mem>>
      %dma_wait3A_383 = tpu.memref_squeeze %dma_wait3A_382 : memref<1x!tpu.dma_semaphore, #tpu.memory_space<semaphore_mem>> -> memref<!tpu.dma_semaphore, #tpu.memory_space<semaphore_mem>>
      tpu.wait_indirect_dma semaphore(%dma_wait3A_383 : memref<!tpu.dma_semaphore, #tpu.memory_space<semaphore_mem>>) src(%dma_wait3A_381 : memref<1000000x64xf32, #tpu.memory_space<hbm>>) dst(%dma_wait3A_375 : memref<128x64xf32, #tpu.memory_space<vmem>>)
      %mul3A_384 = arith.constant 50 : i32
      %mul3A_385 = arith.muli %add3A, %mul3A_384 : i32
      %add3A_386 = arith.addi %mul3A_385, %add3A_369 : i32
      %dma_start3A_387 = arith.constant 4 : i32
      %dma_start3A_388 = arith.constant 4 : i32
      %dma_start3A_389 = arith.constant 0 : i32
      %dma_start3A_390 = arith.constant 0 : i32
      %dma_start3A_391 = tpu.memref_slice %arg6[%dma_start3A_387, %dma_start3A_389, %dma_start3A_390] : memref<5x128x64xf32, #tpu.memory_space<vmem>> -> memref<1x128x64xf32, #tpu.memory_space<vmem>>
      %dma_start3A_392 = tpu.memref_squeeze %dma_start3A_391 : memref<1x128x64xf32, #tpu.memory_space<vmem>> -> memref<128x64xf32, #tpu.memory_space<vmem>>
      %dma_start3A_393 = arith.constant 0 : i32
      %dma_start3A_394 = arith.constant 0 : i32
      %dma_start3A_395 = tpu.memref_slice %arg4[%add3A_386, %dma_start3A_393, %dma_start3A_394] : memref<1600x128x64xf32, #tpu.memory_space<hbm>> -> memref<1x128x64xf32, #tpu.memory_space<hbm>>
      %dma_start3A_396 = tpu.memref_squeeze %dma_start3A_395 : memref<1x128x64xf32, #tpu.memory_space<hbm>> -> memref<128x64xf32, #tpu.memory_space<hbm>>
      %dma_start3A_397 = tpu.memref_slice %arg8[%dma_start3A_388] : memref<5x!tpu.dma_semaphore, #tpu.memory_space<semaphore_mem>> -> memref<1x!tpu.dma_semaphore, #tpu.memory_space<semaphore_mem>>
      %dma_start3A_398 = tpu.memref_squeeze %dma_start3A_397 : memref<1x!tpu.dma_semaphore, #tpu.memory_space<semaphore_mem>> -> memref<!tpu.dma_semaphore, #tpu.memory_space<semaphore_mem>>
      %dma_start3A_399 = arith.constant 0 : i32
      %dma_start3A_400 = arith.constant 0 : i32
      %dma_start3A_401 = tpu.memref_slice %arg4[%add3A_386, %dma_start3A_399, %dma_start3A_400] : memref<1600x128x64xf32, #tpu.memory_space<hbm>> -> memref<1x128x64xf32, #tpu.memory_space<hbm>>
      %dma_start3A_402 = tpu.memref_squeeze %dma_start3A_401 : memref<1x128x64xf32, #tpu.memory_space<hbm>> -> memref<128x64xf32, #tpu.memory_space<hbm>>
      %dma_start3A_403 = arith.constant 0 : i32
      %dma_start3A_404 = arith.constant 0 : i32
      %dma_start3A_405 = tpu.memref_slice %arg6[%dma_start3A_387, %dma_start3A_403, %dma_start3A_404] : memref<5x128x64xf32, #tpu.memory_space<vmem>> -> memref<1x128x64xf32, #tpu.memory_space<vmem>>
      %dma_start3A_406 = tpu.memref_squeeze %dma_start3A_405 : memref<1x128x64xf32, #tpu.memory_space<vmem>> -> memref<128x64xf32, #tpu.memory_space<vmem>>
      tpu.enqueue_dma source(%dma_start3A_406 : memref<128x64xf32, #tpu.memory_space<vmem>>) target(%dma_start3A_402 : memref<128x64xf32, #tpu.memory_space<hbm>>) target_semaphore(%dma_start3A_398 : memref<!tpu.dma_semaphore, #tpu.memory_space<semaphore_mem>>)
      %lt3A = arith.constant 9 : i32
      %lt3A_407 = arith.cmpi slt, %scan3A_209, %lt3A : i32
      %convert_element_type3A = arith.extui %lt3A_407 : i1 to i32
      %cond3A = arith.constant 0 : i32
      %cond3A_408 = arith.cmpi ne, %convert_element_type3A, %cond3A : i32
      scf.if %cond3A_408 {
        %add3A_409 = arith.constant 5 : i32
        %add3A_410 = arith.addi %mul3A_211, %add3A_409 : i32
        %add3A_411 = arith.constant 0 : i32
        %add3A_412 = arith.addi %add3A_410, %add3A_411 : i32
        %mul3A_413 = arith.constant 50 : i32
        %mul3A_414 = arith.muli %add3A, %mul3A_413 : i32
        %add3A_415 = arith.addi %mul3A_414, %mul3A_211 : i32
        %add3A_416 = arith.constant 0 : i32
        %add3A_417 = arith.addi %add3A_415, %add3A_416 : i32
        %dma_wait3A_418 = arith.constant 0 : i32
        %dma_wait3A_419 = arith.constant 0 : i32
        %dma_wait3A_420 = arith.constant 0 : i32
        %dma_wait3A_421 = arith.constant 0 : i32
        %dma_wait3A_422 = tpu.memref_slice %arg6[%dma_wait3A_418, %dma_wait3A_420, %dma_wait3A_421] : memref<5x128x64xf32, #tpu.memory_space<vmem>> -> memref<1x128x64xf32, #tpu.memory_space<vmem>>
        %dma_wait3A_423 = tpu.memref_squeeze %dma_wait3A_422 : memref<1x128x64xf32, #tpu.memory_space<vmem>> -> memref<128x64xf32, #tpu.memory_space<vmem>>
        %dma_wait3A_424 = arith.constant 0 : i32
        %dma_wait3A_425 = arith.constant 0 : i32
        %dma_wait3A_426 = tpu.memref_slice %arg4[%add3A_417, %dma_wait3A_424, %dma_wait3A_425] : memref<1600x128x64xf32, #tpu.memory_space<hbm>> -> memref<1x128x64xf32, #tpu.memory_space<hbm>>
        %dma_wait3A_427 = tpu.memref_squeeze %dma_wait3A_426 : memref<1x128x64xf32, #tpu.memory_space<hbm>> -> memref<128x64xf32, #tpu.memory_space<hbm>>
        %dma_wait3A_428 = tpu.memref_slice %arg8[%dma_wait3A_419] : memref<5x!tpu.dma_semaphore, #tpu.memory_space<semaphore_mem>> -> memref<1x!tpu.dma_semaphore, #tpu.memory_space<semaphore_mem>>
        %dma_wait3A_429 = tpu.memref_squeeze %dma_wait3A_428 : memref<1x!tpu.dma_semaphore, #tpu.memory_space<semaphore_mem>> -> memref<!tpu.dma_semaphore, #tpu.memory_space<semaphore_mem>>
        %dma_wait3A_430 = arith.constant 0 : i32
        %dma_wait3A_431 = arith.constant 0 : i32
        %dma_wait3A_432 = tpu.memref_slice %arg4[%add3A_417, %dma_wait3A_430, %dma_wait3A_431] : memref<1600x128x64xf32, #tpu.memory_space<hbm>> -> memref<1x128x64xf32, #tpu.memory_space<hbm>>
        %dma_wait3A_433 = tpu.memref_squeeze %dma_wait3A_432 : memref<1x128x64xf32, #tpu.memory_space<hbm>> -> memref<128x64xf32, #tpu.memory_space<hbm>>
        %dma_wait3A_434 = arith.constant 0 : i32
        %dma_wait3A_435 = arith.constant 0 : i32
        %dma_wait3A_436 = tpu.memref_slice %arg6[%dma_wait3A_418, %dma_wait3A_434, %dma_wait3A_435] : memref<5x128x64xf32, #tpu.memory_space<vmem>> -> memref<1x128x64xf32, #tpu.memory_space<vmem>>
        %dma_wait3A_437 = tpu.memref_squeeze %dma_wait3A_436 : memref<1x128x64xf32, #tpu.memory_space<vmem>> -> memref<128x64xf32, #tpu.memory_space<vmem>>
        tpu.wait_dma2 semaphore(%dma_wait3A_429 : memref<!tpu.dma_semaphore, #tpu.memory_space<semaphore_mem>>) src(%dma_wait3A_437 : memref<128x64xf32, #tpu.memory_space<vmem>>) dst(%dma_wait3A_433 : memref<128x64xf32, #tpu.memory_space<hbm>>)
        %dma_start3A_438 = arith.constant 0 : i32
        %dma_start3A_439 = arith.constant 0 : i32
        %dma_start3A_440 = arith.constant 0 : i32
        %dma_start3A_441 = arith.constant 0 : i32
        %dma_start3A_442 = tpu.memref_slice %arg6[%dma_start3A_438, %dma_start3A_440, %dma_start3A_441] : memref<5x128x64xf32, #tpu.memory_space<vmem>> -> memref<1x128x64xf32, #tpu.memory_space<vmem>>
        %dma_start3A_443 = tpu.memref_squeeze %dma_start3A_442 : memref<1x128x64xf32, #tpu.memory_space<vmem>> -> memref<128x64xf32, #tpu.memory_space<vmem>>
        %dma_start3A_444 = arith.constant 0 : i32
        %dma_start3A_445 = tpu.memref_slice %arg5[%add3A_412, %dma_start3A_444] : memref<50x128xi32, #tpu.memory_space<vmem>> -> memref<1x128xi32, #tpu.memory_space<vmem>>
        %dma_start3A_446 = tpu.memref_squeeze %dma_start3A_445 : memref<1x128xi32, #tpu.memory_space<vmem>> -> memref<128xi32, #tpu.memory_space<vmem>>
        %dma_start3A_447 = arith.constant 0 : i32
        %dma_start3A_448 = arith.constant 0 : i32
        %dma_start3A_449 = tpu.memref_slice %arg3[%dma_start3A_447, %dma_start3A_448] : memref<1000000x64xf32, #tpu.memory_space<hbm>> -> memref<1000000x64xf32, #tpu.memory_space<hbm>>
        %dma_start3A_450 = tpu.memref_slice %arg7[%dma_start3A_439] : memref<5x!tpu.dma_semaphore, #tpu.memory_space<semaphore_mem>> -> memref<1x!tpu.dma_semaphore, #tpu.memory_space<semaphore_mem>>
        %dma_start3A_451 = tpu.memref_squeeze %dma_start3A_450 : memref<1x!tpu.dma_semaphore, #tpu.memory_space<semaphore_mem>> -> memref<!tpu.dma_semaphore, #tpu.memory_space<semaphore_mem>>
        tpu.enqueue_indirect_dma source(%dma_start3A_449 : memref<1000000x64xf32, #tpu.memory_space<hbm>>) target(%dma_start3A_443 : memref<128x64xf32, #tpu.memory_space<vmem>>) offsets(%dma_start3A_446 : memref<128xi32, #tpu.memory_space<vmem>>) semaphore(%dma_start3A_451 : memref<!tpu.dma_semaphore, #tpu.memory_space<semaphore_mem>>)
        %add3A_452 = arith.constant 5 : i32
        %add3A_453 = arith.addi %mul3A_211, %add3A_452 : i32
        %add3A_454 = arith.constant 1 : i32
        %add3A_455 = arith.addi %add3A_453, %add3A_454 : i32
        %mul3A_456 = arith.constant 50 : i32
        %mul3A_457 = arith.muli %add3A, %mul3A_456 : i32
        %add3A_458 = arith.addi %mul3A_457, %mul3A_211 : i32
        %add3A_459 = arith.constant 1 : i32
        %add3A_460 = arith.addi %add3A_458, %add3A_459 : i32
        %dma_wait3A_461 = arith.constant 1 : i32
        %dma_wait3A_462 = arith.constant 1 : i32
        %dma_wait3A_463 = arith.constant 0 : i32
        %dma_wait3A_464 = arith.constant 0 : i32
        %dma_wait3A_465 = tpu.memref_slice %arg6[%dma_wait3A_461, %dma_wait3A_463, %dma_wait3A_464] : memref<5x128x64xf32, #tpu.memory_space<vmem>> -> memref<1x128x64xf32, #tpu.memory_space<vmem>>
        %dma_wait3A_466 = tpu.memref_squeeze %dma_wait3A_465 : memref<1x128x64xf32, #tpu.memory_space<vmem>> -> memref<128x64xf32, #tpu.memory_space<vmem>>
        %dma_wait3A_467 = arith.constant 0 : i32
        %dma_wait3A_468 = arith.constant 0 : i32
        %dma_wait3A_469 = tpu.memref_slice %arg4[%add3A_460, %dma_wait3A_467, %dma_wait3A_468] : memref<1600x128x64xf32, #tpu.memory_space<hbm>> -> memref<1x128x64xf32, #tpu.memory_space<hbm>>
        %dma_wait3A_470 = tpu.memref_squeeze %dma_wait3A_469 : memref<1x128x64xf32, #tpu.memory_space<hbm>> -> memref<128x64xf32, #tpu.memory_space<hbm>>
        %dma_wait3A_471 = tpu.memref_slice %arg8[%dma_wait3A_462] : memref<5x!tpu.dma_semaphore, #tpu.memory_space<semaphore_mem>> -> memref<1x!tpu.dma_semaphore, #tpu.memory_space<semaphore_mem>>
        %dma_wait3A_472 = tpu.memref_squeeze %dma_wait3A_471 : memref<1x!tpu.dma_semaphore, #tpu.memory_space<semaphore_mem>> -> memref<!tpu.dma_semaphore, #tpu.memory_space<semaphore_mem>>
        %dma_wait3A_473 = arith.constant 0 : i32
        %dma_wait3A_474 = arith.constant 0 : i32
        %dma_wait3A_475 = tpu.memref_slice %arg4[%add3A_460, %dma_wait3A_473, %dma_wait3A_474] : memref<1600x128x64xf32, #tpu.memory_space<hbm>> -> memref<1x128x64xf32, #tpu.memory_space<hbm>>
        %dma_wait3A_476 = tpu.memref_squeeze %dma_wait3A_475 : memref<1x128x64xf32, #tpu.memory_space<hbm>> -> memref<128x64xf32, #tpu.memory_space<hbm>>
        %dma_wait3A_477 = arith.constant 0 : i32
        %dma_wait3A_478 = arith.constant 0 : i32
        %dma_wait3A_479 = tpu.memref_slice %arg6[%dma_wait3A_461, %dma_wait3A_477, %dma_wait3A_478] : memref<5x128x64xf32, #tpu.memory_space<vmem>> -> memref<1x128x64xf32, #tpu.memory_space<vmem>>
        %dma_wait3A_480 = tpu.memref_squeeze %dma_wait3A_479 : memref<1x128x64xf32, #tpu.memory_space<vmem>> -> memref<128x64xf32, #tpu.memory_space<vmem>>
        tpu.wait_dma2 semaphore(%dma_wait3A_472 : memref<!tpu.dma_semaphore, #tpu.memory_space<semaphore_mem>>) src(%dma_wait3A_480 : memref<128x64xf32, #tpu.memory_space<vmem>>) dst(%dma_wait3A_476 : memref<128x64xf32, #tpu.memory_space<hbm>>)
        %dma_start3A_481 = arith.constant 1 : i32
        %dma_start3A_482 = arith.constant 1 : i32
        %dma_start3A_483 = arith.constant 0 : i32
        %dma_start3A_484 = arith.constant 0 : i32
        %dma_start3A_485 = tpu.memref_slice %arg6[%dma_start3A_481, %dma_start3A_483, %dma_start3A_484] : memref<5x128x64xf32, #tpu.memory_space<vmem>> -> memref<1x128x64xf32, #tpu.memory_space<vmem>>
        %dma_start3A_486 = tpu.memref_squeeze %dma_start3A_485 : memref<1x128x64xf32, #tpu.memory_space<vmem>> -> memref<128x64xf32, #tpu.memory_space<vmem>>
        %dma_start3A_487 = arith.constant 0 : i32
        %dma_start3A_488 = tpu.memref_slice %arg5[%add3A_455, %dma_start3A_487] : memref<50x128xi32, #tpu.memory_space<vmem>> -> memref<1x128xi32, #tpu.memory_space<vmem>>
        %dma_start3A_489 = tpu.memref_squeeze %dma_start3A_488 : memref<1x128xi32, #tpu.memory_space<vmem>> -> memref<128xi32, #tpu.memory_space<vmem>>
        %dma_start3A_490 = arith.constant 0 : i32
        %dma_start3A_491 = arith.constant 0 : i32
        %dma_start3A_492 = tpu.memref_slice %arg3[%dma_start3A_490, %dma_start3A_491] : memref<1000000x64xf32, #tpu.memory_space<hbm>> -> memref<1000000x64xf32, #tpu.memory_space<hbm>>
        %dma_start3A_493 = tpu.memref_slice %arg7[%dma_start3A_482] : memref<5x!tpu.dma_semaphore, #tpu.memory_space<semaphore_mem>> -> memref<1x!tpu.dma_semaphore, #tpu.memory_space<semaphore_mem>>
        %dma_start3A_494 = tpu.memref_squeeze %dma_start3A_493 : memref<1x!tpu.dma_semaphore, #tpu.memory_space<semaphore_mem>> -> memref<!tpu.dma_semaphore, #tpu.memory_space<semaphore_mem>>
        tpu.enqueue_indirect_dma source(%dma_start3A_492 : memref<1000000x64xf32, #tpu.memory_space<hbm>>) target(%dma_start3A_486 : memref<128x64xf32, #tpu.memory_space<vmem>>) offsets(%dma_start3A_489 : memref<128xi32, #tpu.memory_space<vmem>>) semaphore(%dma_start3A_494 : memref<!tpu.dma_semaphore, #tpu.memory_space<semaphore_mem>>)
        %add3A_495 = arith.constant 5 : i32
        %add3A_496 = arith.addi %mul3A_211, %add3A_495 : i32
        %add3A_497 = arith.constant 2 : i32
        %add3A_498 = arith.addi %add3A_496, %add3A_497 : i32
        %mul3A_499 = arith.constant 50 : i32
        %mul3A_500 = arith.muli %add3A, %mul3A_499 : i32
        %add3A_501 = arith.addi %mul3A_500, %mul3A_211 : i32
        %add3A_502 = arith.constant 2 : i32
        %add3A_503 = arith.addi %add3A_501, %add3A_502 : i32
        %dma_wait3A_504 = arith.constant 2 : i32
        %dma_wait3A_505 = arith.constant 2 : i32
        %dma_wait3A_506 = arith.constant 0 : i32
        %dma_wait3A_507 = arith.constant 0 : i32
        %dma_wait3A_508 = tpu.memref_slice %arg6[%dma_wait3A_504, %dma_wait3A_506, %dma_wait3A_507] : memref<5x128x64xf32, #tpu.memory_space<vmem>> -> memref<1x128x64xf32, #tpu.memory_space<vmem>>
        %dma_wait3A_509 = tpu.memref_squeeze %dma_wait3A_508 : memref<1x128x64xf32, #tpu.memory_space<vmem>> -> memref<128x64xf32, #tpu.memory_space<vmem>>
        %dma_wait3A_510 = arith.constant 0 : i32
        %dma_wait3A_511 = arith.constant 0 : i32
        %dma_wait3A_512 = tpu.memref_slice %arg4[%add3A_503, %dma_wait3A_510, %dma_wait3A_511] : memref<1600x128x64xf32, #tpu.memory_space<hbm>> -> memref<1x128x64xf32, #tpu.memory_space<hbm>>
        %dma_wait3A_513 = tpu.memref_squeeze %dma_wait3A_512 : memref<1x128x64xf32, #tpu.memory_space<hbm>> -> memref<128x64xf32, #tpu.memory_space<hbm>>
        %dma_wait3A_514 = tpu.memref_slice %arg8[%dma_wait3A_505] : memref<5x!tpu.dma_semaphore, #tpu.memory_space<semaphore_mem>> -> memref<1x!tpu.dma_semaphore, #tpu.memory_space<semaphore_mem>>
        %dma_wait3A_515 = tpu.memref_squeeze %dma_wait3A_514 : memref<1x!tpu.dma_semaphore, #tpu.memory_space<semaphore_mem>> -> memref<!tpu.dma_semaphore, #tpu.memory_space<semaphore_mem>>
        %dma_wait3A_516 = arith.constant 0 : i32
        %dma_wait3A_517 = arith.constant 0 : i32
        %dma_wait3A_518 = tpu.memref_slice %arg4[%add3A_503, %dma_wait3A_516, %dma_wait3A_517] : memref<1600x128x64xf32, #tpu.memory_space<hbm>> -> memref<1x128x64xf32, #tpu.memory_space<hbm>>
        %dma_wait3A_519 = tpu.memref_squeeze %dma_wait3A_518 : memref<1x128x64xf32, #tpu.memory_space<hbm>> -> memref<128x64xf32, #tpu.memory_space<hbm>>
        %dma_wait3A_520 = arith.constant 0 : i32
        %dma_wait3A_521 = arith.constant 0 : i32
        %dma_wait3A_522 = tpu.memref_slice %arg6[%dma_wait3A_504, %dma_wait3A_520, %dma_wait3A_521] : memref<5x128x64xf32, #tpu.memory_space<vmem>> -> memref<1x128x64xf32, #tpu.memory_space<vmem>>
        %dma_wait3A_523 = tpu.memref_squeeze %dma_wait3A_522 : memref<1x128x64xf32, #tpu.memory_space<vmem>> -> memref<128x64xf32, #tpu.memory_space<vmem>>
        tpu.wait_dma2 semaphore(%dma_wait3A_515 : memref<!tpu.dma_semaphore, #tpu.memory_space<semaphore_mem>>) src(%dma_wait3A_523 : memref<128x64xf32, #tpu.memory_space<vmem>>) dst(%dma_wait3A_519 : memref<128x64xf32, #tpu.memory_space<hbm>>)
        %dma_start3A_524 = arith.constant 2 : i32
        %dma_start3A_525 = arith.constant 2 : i32
        %dma_start3A_526 = arith.constant 0 : i32
        %dma_start3A_527 = arith.constant 0 : i32
        %dma_start3A_528 = tpu.memref_slice %arg6[%dma_start3A_524, %dma_start3A_526, %dma_start3A_527] : memref<5x128x64xf32, #tpu.memory_space<vmem>> -> memref<1x128x64xf32, #tpu.memory_space<vmem>>
        %dma_start3A_529 = tpu.memref_squeeze %dma_start3A_528 : memref<1x128x64xf32, #tpu.memory_space<vmem>> -> memref<128x64xf32, #tpu.memory_space<vmem>>
        %dma_start3A_530 = arith.constant 0 : i32
        %dma_start3A_531 = tpu.memref_slice %arg5[%add3A_498, %dma_start3A_530] : memref<50x128xi32, #tpu.memory_space<vmem>> -> memref<1x128xi32, #tpu.memory_space<vmem>>
        %dma_start3A_532 = tpu.memref_squeeze %dma_start3A_531 : memref<1x128xi32, #tpu.memory_space<vmem>> -> memref<128xi32, #tpu.memory_space<vmem>>
        %dma_start3A_533 = arith.constant 0 : i32
        %dma_start3A_534 = arith.constant 0 : i32
        %dma_start3A_535 = tpu.memref_slice %arg3[%dma_start3A_533, %dma_start3A_534] : memref<1000000x64xf32, #tpu.memory_space<hbm>> -> memref<1000000x64xf32, #tpu.memory_space<hbm>>
        %dma_start3A_536 = tpu.memref_slice %arg7[%dma_start3A_525] : memref<5x!tpu.dma_semaphore, #tpu.memory_space<semaphore_mem>> -> memref<1x!tpu.dma_semaphore, #tpu.memory_space<semaphore_mem>>
        %dma_start3A_537 = tpu.memref_squeeze %dma_start3A_536 : memref<1x!tpu.dma_semaphore, #tpu.memory_space<semaphore_mem>> -> memref<!tpu.dma_semaphore, #tpu.memory_space<semaphore_mem>>
        tpu.enqueue_indirect_dma source(%dma_start3A_535 : memref<1000000x64xf32, #tpu.memory_space<hbm>>) target(%dma_start3A_529 : memref<128x64xf32, #tpu.memory_space<vmem>>) offsets(%dma_start3A_532 : memref<128xi32, #tpu.memory_space<vmem>>) semaphore(%dma_start3A_537 : memref<!tpu.dma_semaphore, #tpu.memory_space<semaphore_mem>>)
        %add3A_538 = arith.constant 5 : i32
        %add3A_539 = arith.addi %mul3A_211, %add3A_538 : i32
        %add3A_540 = arith.constant 3 : i32
        %add3A_541 = arith.addi %add3A_539, %add3A_540 : i32
        %mul3A_542 = arith.constant 50 : i32
        %mul3A_543 = arith.muli %add3A, %mul3A_542 : i32
        %add3A_544 = arith.addi %mul3A_543, %mul3A_211 : i32
        %add3A_545 = arith.constant 3 : i32
        %add3A_546 = arith.addi %add3A_544, %add3A_545 : i32
        %dma_wait3A_547 = arith.constant 3 : i32
        %dma_wait3A_548 = arith.constant 3 : i32
        %dma_wait3A_549 = arith.constant 0 : i32
        %dma_wait3A_550 = arith.constant 0 : i32
        %dma_wait3A_551 = tpu.memref_slice %arg6[%dma_wait3A_547, %dma_wait3A_549, %dma_wait3A_550] : memref<5x128x64xf32, #tpu.memory_space<vmem>> -> memref<1x128x64xf32, #tpu.memory_space<vmem>>
        %dma_wait3A_552 = tpu.memref_squeeze %dma_wait3A_551 : memref<1x128x64xf32, #tpu.memory_space<vmem>> -> memref<128x64xf32, #tpu.memory_space<vmem>>
        %dma_wait3A_553 = arith.constant 0 : i32
        %dma_wait3A_554 = arith.constant 0 : i32
        %dma_wait3A_555 = tpu.memref_slice %arg4[%add3A_546, %dma_wait3A_553, %dma_wait3A_554] : memref<1600x128x64xf32, #tpu.memory_space<hbm>> -> memref<1x128x64xf32, #tpu.memory_space<hbm>>
        %dma_wait3A_556 = tpu.memref_squeeze %dma_wait3A_555 : memref<1x128x64xf32, #tpu.memory_space<hbm>> -> memref<128x64xf32, #tpu.memory_space<hbm>>
        %dma_wait3A_557 = tpu.memref_slice %arg8[%dma_wait3A_548] : memref<5x!tpu.dma_semaphore, #tpu.memory_space<semaphore_mem>> -> memref<1x!tpu.dma_semaphore, #tpu.memory_space<semaphore_mem>>
        %dma_wait3A_558 = tpu.memref_squeeze %dma_wait3A_557 : memref<1x!tpu.dma_semaphore, #tpu.memory_space<semaphore_mem>> -> memref<!tpu.dma_semaphore, #tpu.memory_space<semaphore_mem>>
        %dma_wait3A_559 = arith.constant 0 : i32
        %dma_wait3A_560 = arith.constant 0 : i32
        %dma_wait3A_561 = tpu.memref_slice %arg4[%add3A_546, %dma_wait3A_559, %dma_wait3A_560] : memref<1600x128x64xf32, #tpu.memory_space<hbm>> -> memref<1x128x64xf32, #tpu.memory_space<hbm>>
        %dma_wait3A_562 = tpu.memref_squeeze %dma_wait3A_561 : memref<1x128x64xf32, #tpu.memory_space<hbm>> -> memref<128x64xf32, #tpu.memory_space<hbm>>
        %dma_wait3A_563 = arith.constant 0 : i32
        %dma_wait3A_564 = arith.constant 0 : i32
        %dma_wait3A_565 = tpu.memref_slice %arg6[%dma_wait3A_547, %dma_wait3A_563, %dma_wait3A_564] : memref<5x128x64xf32, #tpu.memory_space<vmem>> -> memref<1x128x64xf32, #tpu.memory_space<vmem>>
        %dma_wait3A_566 = tpu.memref_squeeze %dma_wait3A_565 : memref<1x128x64xf32, #tpu.memory_space<vmem>> -> memref<128x64xf32, #tpu.memory_space<vmem>>
        tpu.wait_dma2 semaphore(%dma_wait3A_558 : memref<!tpu.dma_semaphore, #tpu.memory_space<semaphore_mem>>) src(%dma_wait3A_566 : memref<128x64xf32, #tpu.memory_space<vmem>>) dst(%dma_wait3A_562 : memref<128x64xf32, #tpu.memory_space<hbm>>)
        %dma_start3A_567 = arith.constant 3 : i32
        %dma_start3A_568 = arith.constant 3 : i32
        %dma_start3A_569 = arith.constant 0 : i32
        %dma_start3A_570 = arith.constant 0 : i32
        %dma_start3A_571 = tpu.memref_slice %arg6[%dma_start3A_567, %dma_start3A_569, %dma_start3A_570] : memref<5x128x64xf32, #tpu.memory_space<vmem>> -> memref<1x128x64xf32, #tpu.memory_space<vmem>>
        %dma_start3A_572 = tpu.memref_squeeze %dma_start3A_571 : memref<1x128x64xf32, #tpu.memory_space<vmem>> -> memref<128x64xf32, #tpu.memory_space<vmem>>
        %dma_start3A_573 = arith.constant 0 : i32
        %dma_start3A_574 = tpu.memref_slice %arg5[%add3A_541, %dma_start3A_573] : memref<50x128xi32, #tpu.memory_space<vmem>> -> memref<1x128xi32, #tpu.memory_space<vmem>>
        %dma_start3A_575 = tpu.memref_squeeze %dma_start3A_574 : memref<1x128xi32, #tpu.memory_space<vmem>> -> memref<128xi32, #tpu.memory_space<vmem>>
        %dma_start3A_576 = arith.constant 0 : i32
        %dma_start3A_577 = arith.constant 0 : i32
        %dma_start3A_578 = tpu.memref_slice %arg3[%dma_start3A_576, %dma_start3A_577] : memref<1000000x64xf32, #tpu.memory_space<hbm>> -> memref<1000000x64xf32, #tpu.memory_space<hbm>>
        %dma_start3A_579 = tpu.memref_slice %arg7[%dma_start3A_568] : memref<5x!tpu.dma_semaphore, #tpu.memory_space<semaphore_mem>> -> memref<1x!tpu.dma_semaphore, #tpu.memory_space<semaphore_mem>>
        %dma_start3A_580 = tpu.memref_squeeze %dma_start3A_579 : memref<1x!tpu.dma_semaphore, #tpu.memory_space<semaphore_mem>> -> memref<!tpu.dma_semaphore, #tpu.memory_space<semaphore_mem>>
        tpu.enqueue_indirect_dma source(%dma_start3A_578 : memref<1000000x64xf32, #tpu.memory_space<hbm>>) target(%dma_start3A_572 : memref<128x64xf32, #tpu.memory_space<vmem>>) offsets(%dma_start3A_575 : memref<128xi32, #tpu.memory_space<vmem>>) semaphore(%dma_start3A_580 : memref<!tpu.dma_semaphore, #tpu.memory_space<semaphore_mem>>)
        %add3A_581 = arith.constant 5 : i32
        %add3A_582 = arith.addi %mul3A_211, %add3A_581 : i32
        %add3A_583 = arith.constant 4 : i32
        %add3A_584 = arith.addi %add3A_582, %add3A_583 : i32
        %mul3A_585 = arith.constant 50 : i32
        %mul3A_586 = arith.muli %add3A, %mul3A_585 : i32
        %add3A_587 = arith.addi %mul3A_586, %mul3A_211 : i32
        %add3A_588 = arith.constant 4 : i32
        %add3A_589 = arith.addi %add3A_587, %add3A_588 : i32
        %dma_wait3A_590 = arith.constant 4 : i32
        %dma_wait3A_591 = arith.constant 4 : i32
        %dma_wait3A_592 = arith.constant 0 : i32
        %dma_wait3A_593 = arith.constant 0 : i32
        %dma_wait3A_594 = tpu.memref_slice %arg6[%dma_wait3A_590, %dma_wait3A_592, %dma_wait3A_593] : memref<5x128x64xf32, #tpu.memory_space<vmem>> -> memref<1x128x64xf32, #tpu.memory_space<vmem>>
        %dma_wait3A_595 = tpu.memref_squeeze %dma_wait3A_594 : memref<1x128x64xf32, #tpu.memory_space<vmem>> -> memref<128x64xf32, #tpu.memory_space<vmem>>
        %dma_wait3A_596 = arith.constant 0 : i32
        %dma_wait3A_597 = arith.constant 0 : i32
        %dma_wait3A_598 = tpu.memref_slice %arg4[%add3A_589, %dma_wait3A_596, %dma_wait3A_597] : memref<1600x128x64xf32, #tpu.memory_space<hbm>> -> memref<1x128x64xf32, #tpu.memory_space<hbm>>
        %dma_wait3A_599 = tpu.memref_squeeze %dma_wait3A_598 : memref<1x128x64xf32, #tpu.memory_space<hbm>> -> memref<128x64xf32, #tpu.memory_space<hbm>>
        %dma_wait3A_600 = tpu.memref_slice %arg8[%dma_wait3A_591] : memref<5x!tpu.dma_semaphore, #tpu.memory_space<semaphore_mem>> -> memref<1x!tpu.dma_semaphore, #tpu.memory_space<semaphore_mem>>
        %dma_wait3A_601 = tpu.memref_squeeze %dma_wait3A_600 : memref<1x!tpu.dma_semaphore, #tpu.memory_space<semaphore_mem>> -> memref<!tpu.dma_semaphore, #tpu.memory_space<semaphore_mem>>
        %dma_wait3A_602 = arith.constant 0 : i32
        %dma_wait3A_603 = arith.constant 0 : i32
        %dma_wait3A_604 = tpu.memref_slice %arg4[%add3A_589, %dma_wait3A_602, %dma_wait3A_603] : memref<1600x128x64xf32, #tpu.memory_space<hbm>> -> memref<1x128x64xf32, #tpu.memory_space<hbm>>
        %dma_wait3A_605 = tpu.memref_squeeze %dma_wait3A_604 : memref<1x128x64xf32, #tpu.memory_space<hbm>> -> memref<128x64xf32, #tpu.memory_space<hbm>>
        %dma_wait3A_606 = arith.constant 0 : i32
        %dma_wait3A_607 = arith.constant 0 : i32
        %dma_wait3A_608 = tpu.memref_slice %arg6[%dma_wait3A_590, %dma_wait3A_606, %dma_wait3A_607] : memref<5x128x64xf32, #tpu.memory_space<vmem>> -> memref<1x128x64xf32, #tpu.memory_space<vmem>>
        %dma_wait3A_609 = tpu.memref_squeeze %dma_wait3A_608 : memref<1x128x64xf32, #tpu.memory_space<vmem>> -> memref<128x64xf32, #tpu.memory_space<vmem>>
        tpu.wait_dma2 semaphore(%dma_wait3A_601 : memref<!tpu.dma_semaphore, #tpu.memory_space<semaphore_mem>>) src(%dma_wait3A_609 : memref<128x64xf32, #tpu.memory_space<vmem>>) dst(%dma_wait3A_605 : memref<128x64xf32, #tpu.memory_space<hbm>>)
        %dma_start3A_610 = arith.constant 4 : i32
        %dma_start3A_611 = arith.constant 4 : i32
        %dma_start3A_612 = arith.constant 0 : i32
        %dma_start3A_613 = arith.constant 0 : i32
        %dma_start3A_614 = tpu.memref_slice %arg6[%dma_start3A_610, %dma_start3A_612, %dma_start3A_613] : memref<5x128x64xf32, #tpu.memory_space<vmem>> -> memref<1x128x64xf32, #tpu.memory_space<vmem>>
        %dma_start3A_615 = tpu.memref_squeeze %dma_start3A_614 : memref<1x128x64xf32, #tpu.memory_space<vmem>> -> memref<128x64xf32, #tpu.memory_space<vmem>>
        %dma_start3A_616 = arith.constant 0 : i32
        %dma_start3A_617 = tpu.memref_slice %arg5[%add3A_584, %dma_start3A_616] : memref<50x128xi32, #tpu.memory_space<vmem>> -> memref<1x128xi32, #tpu.memory_space<vmem>>
        %dma_start3A_618 = tpu.memref_squeeze %dma_start3A_617 : memref<1x128xi32, #tpu.memory_space<vmem>> -> memref<128xi32, #tpu.memory_space<vmem>>
        %dma_start3A_619 = arith.constant 0 : i32
        %dma_start3A_620 = arith.constant 0 : i32
        %dma_start3A_621 = tpu.memref_slice %arg3[%dma_start3A_619, %dma_start3A_620] : memref<1000000x64xf32, #tpu.memory_space<hbm>> -> memref<1000000x64xf32, #tpu.memory_space<hbm>>
        %dma_start3A_622 = tpu.memref_slice %arg7[%dma_start3A_611] : memref<5x!tpu.dma_semaphore, #tpu.memory_space<semaphore_mem>> -> memref<1x!tpu.dma_semaphore, #tpu.memory_space<semaphore_mem>>
        %dma_start3A_623 = tpu.memref_squeeze %dma_start3A_622 : memref<1x!tpu.dma_semaphore, #tpu.memory_space<semaphore_mem>> -> memref<!tpu.dma_semaphore, #tpu.memory_space<semaphore_mem>>
        tpu.enqueue_indirect_dma source(%dma_start3A_621 : memref<1000000x64xf32, #tpu.memory_space<hbm>>) target(%dma_start3A_615 : memref<128x64xf32, #tpu.memory_space<vmem>>) offsets(%dma_start3A_618 : memref<128xi32, #tpu.memory_space<vmem>>) semaphore(%dma_start3A_623 : memref<!tpu.dma_semaphore, #tpu.memory_space<semaphore_mem>>)
      } else {
      }
    }
    %scan3A_79 = arith.constant 10 : i32
    %mul3A_80 = arith.constant 50 : i32
    %mul3A_81 = arith.muli %add3A, %mul3A_80 : i32
    %add3A_82 = arith.constant 45 : i32
    %add3A_83 = arith.addi %mul3A_81, %add3A_82 : i32
    %add3A_84 = arith.constant 0 : i32
    %add3A_85 = arith.addi %add3A_83, %add3A_84 : i32
    %dma_wait3A = arith.constant 0 : i32
    %dma_wait3A_86 = arith.constant 0 : i32
    %dma_wait3A_87 = arith.constant 0 : i32
    %dma_wait3A_88 = arith.constant 0 : i32
    %dma_wait3A_89 = tpu.memref_slice %arg6[%dma_wait3A, %dma_wait3A_87, %dma_wait3A_88] : memref<5x128x64xf32, #tpu.memory_space<vmem>> -> memref<1x128x64xf32, #tpu.memory_space<vmem>>
    %dma_wait3A_90 = tpu.memref_squeeze %dma_wait3A_89 : memref<1x128x64xf32, #tpu.memory_space<vmem>> -> memref<128x64xf32, #tpu.memory_space<vmem>>
    %dma_wait3A_91 = arith.constant 0 : i32
    %dma_wait3A_92 = arith.constant 0 : i32
    %dma_wait3A_93 = tpu.memref_slice %arg4[%add3A_85, %dma_wait3A_91, %dma_wait3A_92] : memref<1600x128x64xf32, #tpu.memory_space<hbm>> -> memref<1x128x64xf32, #tpu.memory_space<hbm>>
    %dma_wait3A_94 = tpu.memref_squeeze %dma_wait3A_93 : memref<1x128x64xf32, #tpu.memory_space<hbm>> -> memref<128x64xf32, #tpu.memory_space<hbm>>
    %dma_wait3A_95 = tpu.memref_slice %arg8[%dma_wait3A_86] : memref<5x!tpu.dma_semaphore, #tpu.memory_space<semaphore_mem>> -> memref<1x!tpu.dma_semaphore, #tpu.memory_space<semaphore_mem>>
    %dma_wait3A_96 = tpu.memref_squeeze %dma_wait3A_95 : memref<1x!tpu.dma_semaphore, #tpu.memory_space<semaphore_mem>> -> memref<!tpu.dma_semaphore, #tpu.memory_space<semaphore_mem>>
    %dma_wait3A_97 = arith.constant 0 : i32
    %dma_wait3A_98 = arith.constant 0 : i32
    %dma_wait3A_99 = tpu.memref_slice %arg4[%add3A_85, %dma_wait3A_97, %dma_wait3A_98] : memref<1600x128x64xf32, #tpu.memory_space<hbm>> -> memref<1x128x64xf32, #tpu.memory_space<hbm>>
    %dma_wait3A_100 = tpu.memref_squeeze %dma_wait3A_99 : memref<1x128x64xf32, #tpu.memory_space<hbm>> -> memref<128x64xf32, #tpu.memory_space<hbm>>
    %dma_wait3A_101 = arith.constant 0 : i32
    %dma_wait3A_102 = arith.constant 0 : i32
    %dma_wait3A_103 = tpu.memref_slice %arg6[%dma_wait3A, %dma_wait3A_101, %dma_wait3A_102] : memref<5x128x64xf32, #tpu.memory_space<vmem>> -> memref<1x128x64xf32, #tpu.memory_space<vmem>>
    %dma_wait3A_104 = tpu.memref_squeeze %dma_wait3A_103 : memref<1x128x64xf32, #tpu.memory_space<vmem>> -> memref<128x64xf32, #tpu.memory_space<vmem>>
    tpu.wait_dma2 semaphore(%dma_wait3A_96 : memref<!tpu.dma_semaphore, #tpu.memory_space<semaphore_mem>>) src(%dma_wait3A_104 : memref<128x64xf32, #tpu.memory_space<vmem>>) dst(%dma_wait3A_100 : memref<128x64xf32, #tpu.memory_space<hbm>>)
    %mul3A_105 = arith.constant 50 : i32
    %mul3A_106 = arith.muli %add3A, %mul3A_105 : i32
    %add3A_107 = arith.constant 45 : i32
    %add3A_108 = arith.addi %mul3A_106, %add3A_107 : i32
    %add3A_109 = arith.constant 1 : i32
    %add3A_110 = arith.addi %add3A_108, %add3A_109 : i32
    %dma_wait3A_111 = arith.constant 1 : i32
    %dma_wait3A_112 = arith.constant 1 : i32
    %dma_wait3A_113 = arith.constant 0 : i32
    %dma_wait3A_114 = arith.constant 0 : i32
    %dma_wait3A_115 = tpu.memref_slice %arg6[%dma_wait3A_111, %dma_wait3A_113, %dma_wait3A_114] : memref<5x128x64xf32, #tpu.memory_space<vmem>> -> memref<1x128x64xf32, #tpu.memory_space<vmem>>
    %dma_wait3A_116 = tpu.memref_squeeze %dma_wait3A_115 : memref<1x128x64xf32, #tpu.memory_space<vmem>> -> memref<128x64xf32, #tpu.memory_space<vmem>>
    %dma_wait3A_117 = arith.constant 0 : i32
    %dma_wait3A_118 = arith.constant 0 : i32
    %dma_wait3A_119 = tpu.memref_slice %arg4[%add3A_110, %dma_wait3A_117, %dma_wait3A_118] : memref<1600x128x64xf32, #tpu.memory_space<hbm>> -> memref<1x128x64xf32, #tpu.memory_space<hbm>>
    %dma_wait3A_120 = tpu.memref_squeeze %dma_wait3A_119 : memref<1x128x64xf32, #tpu.memory_space<hbm>> -> memref<128x64xf32, #tpu.memory_space<hbm>>
    %dma_wait3A_121 = tpu.memref_slice %arg8[%dma_wait3A_112] : memref<5x!tpu.dma_semaphore, #tpu.memory_space<semaphore_mem>> -> memref<1x!tpu.dma_semaphore, #tpu.memory_space<semaphore_mem>>
    %dma_wait3A_122 = tpu.memref_squeeze %dma_wait3A_121 : memref<1x!tpu.dma_semaphore, #tpu.memory_space<semaphore_mem>> -> memref<!tpu.dma_semaphore, #tpu.memory_space<semaphore_mem>>
    %dma_wait3A_123 = arith.constant 0 : i32
    %dma_wait3A_124 = arith.constant 0 : i32
    %dma_wait3A_125 = tpu.memref_slice %arg4[%add3A_110, %dma_wait3A_123, %dma_wait3A_124] : memref<1600x128x64xf32, #tpu.memory_space<hbm>> -> memref<1x128x64xf32, #tpu.memory_space<hbm>>
    %dma_wait3A_126 = tpu.memref_squeeze %dma_wait3A_125 : memref<1x128x64xf32, #tpu.memory_space<hbm>> -> memref<128x64xf32, #tpu.memory_space<hbm>>
    %dma_wait3A_127 = arith.constant 0 : i32
    %dma_wait3A_128 = arith.constant 0 : i32
    %dma_wait3A_129 = tpu.memref_slice %arg6[%dma_wait3A_111, %dma_wait3A_127, %dma_wait3A_128] : memref<5x128x64xf32, #tpu.memory_space<vmem>> -> memref<1x128x64xf32, #tpu.memory_space<vmem>>
    %dma_wait3A_130 = tpu.memref_squeeze %dma_wait3A_129 : memref<1x128x64xf32, #tpu.memory_space<vmem>> -> memref<128x64xf32, #tpu.memory_space<vmem>>
    tpu.wait_dma2 semaphore(%dma_wait3A_122 : memref<!tpu.dma_semaphore, #tpu.memory_space<semaphore_mem>>) src(%dma_wait3A_130 : memref<128x64xf32, #tpu.memory_space<vmem>>) dst(%dma_wait3A_126 : memref<128x64xf32, #tpu.memory_space<hbm>>)
    %mul3A_131 = arith.constant 50 : i32
    %mul3A_132 = arith.muli %add3A, %mul3A_131 : i32
    %add3A_133 = arith.constant 45 : i32
    %add3A_134 = arith.addi %mul3A_132, %add3A_133 : i32
    %add3A_135 = arith.constant 2 : i32
    %add3A_136 = arith.addi %add3A_134, %add3A_135 : i32
    %dma_wait3A_137 = arith.constant 2 : i32
    %dma_wait3A_138 = arith.constant 2 : i32
    %dma_wait3A_139 = arith.constant 0 : i32
    %dma_wait3A_140 = arith.constant 0 : i32
    %dma_wait3A_141 = tpu.memref_slice %arg6[%dma_wait3A_137, %dma_wait3A_139, %dma_wait3A_140] : memref<5x128x64xf32, #tpu.memory_space<vmem>> -> memref<1x128x64xf32, #tpu.memory_space<vmem>>
    %dma_wait3A_142 = tpu.memref_squeeze %dma_wait3A_141 : memref<1x128x64xf32, #tpu.memory_space<vmem>> -> memref<128x64xf32, #tpu.memory_space<vmem>>
    %dma_wait3A_143 = arith.constant 0 : i32
    %dma_wait3A_144 = arith.constant 0 : i32
    %dma_wait3A_145 = tpu.memref_slice %arg4[%add3A_136, %dma_wait3A_143, %dma_wait3A_144] : memref<1600x128x64xf32, #tpu.memory_space<hbm>> -> memref<1x128x64xf32, #tpu.memory_space<hbm>>
    %dma_wait3A_146 = tpu.memref_squeeze %dma_wait3A_145 : memref<1x128x64xf32, #tpu.memory_space<hbm>> -> memref<128x64xf32, #tpu.memory_space<hbm>>
    %dma_wait3A_147 = tpu.memref_slice %arg8[%dma_wait3A_138] : memref<5x!tpu.dma_semaphore, #tpu.memory_space<semaphore_mem>> -> memref<1x!tpu.dma_semaphore, #tpu.memory_space<semaphore_mem>>
    %dma_wait3A_148 = tpu.memref_squeeze %dma_wait3A_147 : memref<1x!tpu.dma_semaphore, #tpu.memory_space<semaphore_mem>> -> memref<!tpu.dma_semaphore, #tpu.memory_space<semaphore_mem>>
    %dma_wait3A_149 = arith.constant 0 : i32
    %dma_wait3A_150 = arith.constant 0 : i32
    %dma_wait3A_151 = tpu.memref_slice %arg4[%add3A_136, %dma_wait3A_149, %dma_wait3A_150] : memref<1600x128x64xf32, #tpu.memory_space<hbm>> -> memref<1x128x64xf32, #tpu.memory_space<hbm>>
    %dma_wait3A_152 = tpu.memref_squeeze %dma_wait3A_151 : memref<1x128x64xf32, #tpu.memory_space<hbm>> -> memref<128x64xf32, #tpu.memory_space<hbm>>
    %dma_wait3A_153 = arith.constant 0 : i32
    %dma_wait3A_154 = arith.constant 0 : i32
    %dma_wait3A_155 = tpu.memref_slice %arg6[%dma_wait3A_137, %dma_wait3A_153, %dma_wait3A_154] : memref<5x128x64xf32, #tpu.memory_space<vmem>> -> memref<1x128x64xf32, #tpu.memory_space<vmem>>
    %dma_wait3A_156 = tpu.memref_squeeze %dma_wait3A_155 : memref<1x128x64xf32, #tpu.memory_space<vmem>> -> memref<128x64xf32, #tpu.memory_space<vmem>>
    tpu.wait_dma2 semaphore(%dma_wait3A_148 : memref<!tpu.dma_semaphore, #tpu.memory_space<semaphore_mem>>) src(%dma_wait3A_156 : memref<128x64xf32, #tpu.memory_space<vmem>>) dst(%dma_wait3A_152 : memref<128x64xf32, #tpu.memory_space<hbm>>)
    %mul3A_157 = arith.constant 50 : i32
    %mul3A_158 = arith.muli %add3A, %mul3A_157 : i32
    %add3A_159 = arith.constant 45 : i32
    %add3A_160 = arith.addi %mul3A_158, %add3A_159 : i32
    %add3A_161 = arith.constant 3 : i32
    %add3A_162 = arith.addi %add3A_160, %add3A_161 : i32
    %dma_wait3A_163 = arith.constant 3 : i32
    %dma_wait3A_164 = arith.constant 3 : i32
    %dma_wait3A_165 = arith.constant 0 : i32
    %dma_wait3A_166 = arith.constant 0 : i32
    %dma_wait3A_167 = tpu.memref_slice %arg6[%dma_wait3A_163, %dma_wait3A_165, %dma_wait3A_166] : memref<5x128x64xf32, #tpu.memory_space<vmem>> -> memref<1x128x64xf32, #tpu.memory_space<vmem>>
    %dma_wait3A_168 = tpu.memref_squeeze %dma_wait3A_167 : memref<1x128x64xf32, #tpu.memory_space<vmem>> -> memref<128x64xf32, #tpu.memory_space<vmem>>
    %dma_wait3A_169 = arith.constant 0 : i32
    %dma_wait3A_170 = arith.constant 0 : i32
    %dma_wait3A_171 = tpu.memref_slice %arg4[%add3A_162, %dma_wait3A_169, %dma_wait3A_170] : memref<1600x128x64xf32, #tpu.memory_space<hbm>> -> memref<1x128x64xf32, #tpu.memory_space<hbm>>
    %dma_wait3A_172 = tpu.memref_squeeze %dma_wait3A_171 : memref<1x128x64xf32, #tpu.memory_space<hbm>> -> memref<128x64xf32, #tpu.memory_space<hbm>>
    %dma_wait3A_173 = tpu.memref_slice %arg8[%dma_wait3A_164] : memref<5x!tpu.dma_semaphore, #tpu.memory_space<semaphore_mem>> -> memref<1x!tpu.dma_semaphore, #tpu.memory_space<semaphore_mem>>
    %dma_wait3A_174 = tpu.memref_squeeze %dma_wait3A_173 : memref<1x!tpu.dma_semaphore, #tpu.memory_space<semaphore_mem>> -> memref<!tpu.dma_semaphore, #tpu.memory_space<semaphore_mem>>
    %dma_wait3A_175 = arith.constant 0 : i32
    %dma_wait3A_176 = arith.constant 0 : i32
    %dma_wait3A_177 = tpu.memref_slice %arg4[%add3A_162, %dma_wait3A_175, %dma_wait3A_176] : memref<1600x128x64xf32, #tpu.memory_space<hbm>> -> memref<1x128x64xf32, #tpu.memory_space<hbm>>
    %dma_wait3A_178 = tpu.memref_squeeze %dma_wait3A_177 : memref<1x128x64xf32, #tpu.memory_space<hbm>> -> memref<128x64xf32, #tpu.memory_space<hbm>>
    %dma_wait3A_179 = arith.constant 0 : i32
    %dma_wait3A_180 = arith.constant 0 : i32
    %dma_wait3A_181 = tpu.memref_slice %arg6[%dma_wait3A_163, %dma_wait3A_179, %dma_wait3A_180] : memref<5x128x64xf32, #tpu.memory_space<vmem>> -> memref<1x128x64xf32, #tpu.memory_space<vmem>>
    %dma_wait3A_182 = tpu.memref_squeeze %dma_wait3A_181 : memref<1x128x64xf32, #tpu.memory_space<vmem>> -> memref<128x64xf32, #tpu.memory_space<vmem>>
    tpu.wait_dma2 semaphore(%dma_wait3A_174 : memref<!tpu.dma_semaphore, #tpu.memory_space<semaphore_mem>>) src(%dma_wait3A_182 : memref<128x64xf32, #tpu.memory_space<vmem>>) dst(%dma_wait3A_178 : memref<128x64xf32, #tpu.memory_space<hbm>>)
    %mul3A_183 = arith.constant 50 : i32
    %mul3A_184 = arith.muli %add3A, %mul3A_183 : i32
    %add3A_185 = arith.constant 45 : i32
    %add3A_186 = arith.addi %mul3A_184, %add3A_185 : i32
    %add3A_187 = arith.constant 4 : i32
    %add3A_188 = arith.addi %add3A_186, %add3A_187 : i32
    %dma_wait3A_189 = arith.constant 4 : i32
    %dma_wait3A_190 = arith.constant 4 : i32
    %dma_wait3A_191 = arith.constant 0 : i32
    %dma_wait3A_192 = arith.constant 0 : i32
    %dma_wait3A_193 = tpu.memref_slice %arg6[%dma_wait3A_189, %dma_wait3A_191, %dma_wait3A_192] : memref<5x128x64xf32, #tpu.memory_space<vmem>> -> memref<1x128x64xf32, #tpu.memory_space<vmem>>
    %dma_wait3A_194 = tpu.memref_squeeze %dma_wait3A_193 : memref<1x128x64xf32, #tpu.memory_space<vmem>> -> memref<128x64xf32, #tpu.memory_space<vmem>>
    %dma_wait3A_195 = arith.constant 0 : i32
    %dma_wait3A_196 = arith.constant 0 : i32
    %dma_wait3A_197 = tpu.memref_slice %arg4[%add3A_188, %dma_wait3A_195, %dma_wait3A_196] : memref<1600x128x64xf32, #tpu.memory_space<hbm>> -> memref<1x128x64xf32, #tpu.memory_space<hbm>>
    %dma_wait3A_198 = tpu.memref_squeeze %dma_wait3A_197 : memref<1x128x64xf32, #tpu.memory_space<hbm>> -> memref<128x64xf32, #tpu.memory_space<hbm>>
    %dma_wait3A_199 = tpu.memref_slice %arg8[%dma_wait3A_190] : memref<5x!tpu.dma_semaphore, #tpu.memory_space<semaphore_mem>> -> memref<1x!tpu.dma_semaphore, #tpu.memory_space<semaphore_mem>>
    %dma_wait3A_200 = tpu.memref_squeeze %dma_wait3A_199 : memref<1x!tpu.dma_semaphore, #tpu.memory_space<semaphore_mem>> -> memref<!tpu.dma_semaphore, #tpu.memory_space<semaphore_mem>>
    %dma_wait3A_201 = arith.constant 0 : i32
    %dma_wait3A_202 = arith.constant 0 : i32
    %dma_wait3A_203 = tpu.memref_slice %arg4[%add3A_188, %dma_wait3A_201, %dma_wait3A_202] : memref<1600x128x64xf32, #tpu.memory_space<hbm>> -> memref<1x128x64xf32, #tpu.memory_space<hbm>>
    %dma_wait3A_204 = tpu.memref_squeeze %dma_wait3A_203 : memref<1x128x64xf32, #tpu.memory_space<hbm>> -> memref<128x64xf32, #tpu.memory_space<hbm>>
    %dma_wait3A_205 = arith.constant 0 : i32
    %dma_wait3A_206 = arith.constant 0 : i32
    %dma_wait3A_207 = tpu.memref_slice %arg6[%dma_wait3A_189, %dma_wait3A_205, %dma_wait3A_206] : memref<5x128x64xf32, #tpu.memory_space<vmem>> -> memref<1x128x64xf32, #tpu.memory_space<vmem>>
    %dma_wait3A_208 = tpu.memref_squeeze %dma_wait3A_207 : memref<1x128x64xf32, #tpu.memory_space<vmem>> -> memref<128x64xf32, #tpu.memory_space<vmem>>
    tpu.wait_dma2 semaphore(%dma_wait3A_200 : memref<!tpu.dma_semaphore, #tpu.memory_space<semaphore_mem>>) src(%dma_wait3A_208 : memref<128x64xf32, #tpu.memory_space<vmem>>) dst(%dma_wait3A_204 : memref<128x64xf32, #tpu.memory_space<hbm>>)
    return
  }
}

</mosaic_0001>

<sc_bundles>
// kernel: kernel.3.cloned.1.call-start
scs
__scs_entry_jumppad:
0x0: {  	(pc) =	sbr.rel $0x88, $3  }
0x1: {  	(tag) =	ssettag $0x0;
	lr =	simm.s32 $0x1  }
0x2: {  	[smem:$0x3F9F] =	sst lr;
	_ =	strace $0xD0000000  }
0x3: {  	_ = 	snop  }
0x4: {  	_ = 	snop  }
0x5: {  	_ = 	snop  }
0x6: {  	_ = 	snop  }
0x7: {  	_ = 	snop  }
__scs_overlays_trampoline_lowered:
0x8: {  	[smem:$0x3FAE] =	sst s0  }
0x9: {  	[smem:$0x3FAF] =	sst s1  }
0xa: {  	[smem:$0x3FB0] =	sst s2  }
0xb: {  	[smem:$0x3FB1] =	sst s3  }
0xc: {  	[smem:$0x3FB2] =	sst s4  }
0xd: {  	[smem:$0x3FB3] =	sst s5  }
0xe: {  	[smem:$0x3FB4] =	sst s6  }
0xf: {  	[smem:$0x3FB5] =	sst s7  }
0x10: {  	[smem:$0x3FB6] =	sst s8  }
0x11: {  	[smem:$0x3FB7] =	sst s9;
	s0 =	simm.s32 @!p0 $0x0  }
0x12: {  	s1 =	sld [smem:$0x3F9D];
	s0 =	simm.s32 @p0 $0x1  }
0x13: {  	[smem:$0x3FB8] =	sst s0;
	s0 =	simm.s32 @!p1 $0x0  }
0x14: {  	s2 =	sld [smem:$0x3F9C];
	s0 =	simm.s32 @p1 $0x1  }
0x15: {  	[smem:$0x3FB9] =	sst s0;
	s0 =	simm.s32 @!p2 $0x0  }
0x16: {  	s3 =	sld [smem:$0x3FDB];
	s0 =	simm.s32 @p2 $0x1  }
0x17: {  	s4 =	simm.s32 $0x1BF5;
	[smem:$0x3FBB] =	sst s0  }
0x18: {  	s0 =	sld [smem:$0x3F9E];
	_ =	swait.ge [sflag:s4], $0x0  }
0x19: {  	s7 =	sld [smem:$0x3F9F]  }
0x1a: {  	s8 =	sadd.s32 $0xFFFFE003, lr  }
0x1b: {  	s9 =	sadd.s32 $0xFFFFFEF7, lr;
	s5 =	simm.s32 $0xFFFFFFFF;
	p2 =	slt.u32 s8, $0xFFFFF086  }
0x1c: {  	p1 =	slt.u32 s9, $0xF7A;
	s5 =	simm.s32 @!p2 $0x0  }
0x1d: {  	s5 =	simm.s32 @p1 $0x1;
	p0 =	seq.s32 s7, s2  }
0x1e: {  	s7 =	smul.u32 @!p0 $0xF7A, s2;
	p2 =	seq.s32 @!p0 s5, $0x0  }
0x1f: {  	s9 =	smul.u32 $0xF7A, s1;
	s8 =	simm.s32 @!p0 $0x1BF5;
	p2 =	por !p2, p0  }
0x20: {  	[sflag:s8] =	ssyncset.s32 @!p0 $0xFFFFF086;
	s6 =	sadd.s32 @!p0 s3, s7;
	s7 =	simm.s32 @!p0 $0x108  }
0x21: {  	s3 =	sadd.s32 s3, s9;
	s6 =	sadd.s32 @!p0 $0x88, s6;
	s7 =	simm.s32 @p2 $0x1082  }
0x22: {  	[simem:s7], [sflag:s8] =	dma.local @!p0 [hbm:s6], $0xF7A  }
0x23: {  	s9 =	sor.u32 $0xD0000000, s2;
	s6 =	simm.s32 $0x108;
	_ =	swait.ge @!p0 [sflag:s8], $0x0  }
0x24: {  	s3 =	sadd.s32 $0x88, s3;
	s6 =	simm.s32 @!p1 $0x1082;
	[sflag:s4] =	ssyncset.s32 $0xFFFFF086  }
0x25: {  	[simem:s6], [sflag:s4] =	dma.local [hbm:s3], $0xF7A  }
0x26: {  	[smem:$0x3F9F] =	sst s1;
	(tag) =	ssettag s2;
	_ =	strace s9  }
0x27: {  	s1 =	sld [smem:$0x3FAF]  }
0x28: {  	s2 =	sld [smem:$0x3FB0]  }
0x29: {  	s4 =	sld [smem:$0x3FB2]  }
0x2a: {  	p0 =	seq.s32 s5, $0x0;
	s5 =	sld [smem:$0x3FB3]  }
0x2b: {  	s6 =	sld [smem:$0x3FB4]  }
0x2c: {  	s7 =	sld [smem:$0x3FB5]  }
0x2d: {  	s3 =	simm.s32 $0x108;
	s8 =	sld [smem:$0x3FB6]  }
0x2e: {  	s3 =	simm.s32 @!p0 $0x1082;
	s9 =	sld [smem:$0x3FB7]  }
0x2f: {  	lr =	sadd.s32 s0, s3;
	s0 =	sld [smem:$0x3FAE]  }
0x30: {  	s3 =	sld [smem:$0x3FB1]  }
0x31: {  	[smem:$0x3FBA] =	sst s10  }
0x32: {  	s10 =	sld [smem:$0x3FB8];
	_ =	sdelay $0x3  }
0x33: {  	p0 =	seq.s32 s10, $0x1;
	s10 =	sld [smem:$0x3FBA];
	_ =	sdelay $0x3  }
0x34: {  	[smem:$0x3FBA] =	sst s10  }
0x35: {  	s10 =	sld [smem:$0x3FB9];
	_ =	sdelay $0x3  }
0x36: {  	p1 =	seq.s32 s10, $0x1;
	s10 =	sld [smem:$0x3FBA];
	_ =	sdelay $0x3  }
0x37: {  	[smem:$0x3FBA] =	sst s10  }
0x38: {  	s10 =	sld [smem:$0x3FBB]  }
0x39: {  	_ = 	snop;
	(pc) =	sbr.ind lr, $3  }
0x3a: {  	_ = 	snop  }
0x3b: {  	_ = 	snop  }
0x3c: {  	p2 =	seq.s32 s10, $0x1;
	s10 =	sld [smem:$0x3FBA]  }
0x3d: {  	_ =	shalt  }
0x3e: {  	_ =	shalt  }
0x3f: {  	_ =	shalt  }
0x40: {  	_ =	shalt  }
0x41: {  	_ =	shalt  }
0x42: {  	_ =	shalt  }
0x43: {  	_ =	shalt  }
0x44: {  	_ =	shalt  }
0x45: {  	_ =	shalt  }
0x46: {  	_ =	shalt  }
0x47: {  	_ =	shalt  }
0x48: {  	_ =	shalt  }
0x49: {  	_ =	shalt  }
0x4a: {  	_ =	shalt  }
0x4b: {  	_ =	shalt  }
0x4c: {  	_ =	shalt  }
0x4d: {  	_ =	shalt  }
0x4e: {  	_ =	shalt  }
0x4f: {  	_ =	shalt  }
0x50: {  	_ =	shalt  }
0x51: {  	_ =	shalt  }
0x52: {  	_ =	shalt  }
0x53: {  	_ =	shalt  }
0x54: {  	_ =	shalt  }
0x55: {  	_ =	shalt  }
0x56: {  	_ =	shalt  }
0x57: {  	_ =	shalt  }
0x58: {  	_ =	shalt  }
0x59: {  	_ =	shalt  }
0x5a: {  	_ =	shalt  }
0x5b: {  	_ =	shalt  }
0x5c: {  	_ =	shalt  }
0x5d: {  	_ =	shalt  }
0x5e: {  	_ =	shalt  }
0x5f: {  	_ =	shalt  }
0x60: {  	_ =	shalt  }
0x61: {  	_ =	shalt  }
0x62: {  	_ =	shalt  }
0x63: {  	_ =	shalt  }
0x64: {  	_ =	shalt  }
0x65: {  	_ =	shalt  }
0x66: {  	_ =	shalt  }
0x67: {  	_ =	shalt  }
0x68: {  	_ =	shalt  }
0x69: {  	_ =	shalt  }
0x6a: {  	_ =	shalt  }
0x6b: {  	_ =	shalt  }
0x6c: {  	_ =	shalt  }
0x6d: {  	_ =	shalt  }
0x6e: {  	_ =	shalt  }
0x6f: {  	_ =	shalt  }
0x70: {  	_ =	shalt  }
0x71: {  	_ =	shalt  }
0x72: {  	_ =	shalt  }
0x73: {  	_ =	shalt  }
0x74: {  	_ =	shalt  }
0x75: {  	_ =	shalt  }
0x76: {  	_ =	shalt  }
0x77: {  	_ =	shalt  }
0x78: {  	_ =	shalt  }
0x79: {  	_ =	shalt  }
0x7a: {  	_ =	shalt  }
0x7b: {  	_ =	shalt  }
0x7c: {  	_ =	shalt  }
0x7d: {  	_ =	shalt  }
0x7e: {  	_ =	shalt  }
0x7f: {  	_ =	shalt  }
0x80: {  	_ =	shalt  }
0x81: {  	_ =	shalt  }
0x82: {  	_ =	shalt  }
0x83: {  	_ =	shalt  }
0x84: {  	_ =	shalt  }
0x85: {  	_ =	shalt  }
0x86: {  	_ =	shalt  }
0x87: {  	_ =	shalt  }
.Lfunc_end0:
.L_simem_size_0:
called_computation.1_lowered:
.L_overlay_start_0:
0x88: {  	s2 =	sld [smem:$0x3FD9]  }
0x89: {  	s3 =	sld [smem:$0x3FFE];
	_ =	sdelay $0x1  }
0x8a: {  	s1 =	srdreg.scid  }
0x8b: {  	s0 =	sand.u32 $0x1, s1  }
0x8c: {  	s17 =	sshll.u32 s0, $0xA;
	s2 =	sadd.s32 s3, s2  }
0x8d: {  	s2 =	sadd.s32 s2, s17  }
0x8e: {  	[smem:$0x3FC6] =	sst s2  }
0x8f: {  	_ = 	snop  }
0x90: {  	s2 =	sld [smem:$0x3FD0];
	(tm) =	ssettm $0x1  }
0x91: {  	s18 =	sld [smem:$0x3FFB];
	_ =	sdelay $0x3  }
0x92: {  	_ =	strace s18  }
0x93: {  	s3 =	sld [smem:$0x3FFC];
	_ =	sdelay $0x3  }
0x94: {  	_ =	strace s3  }
0x95: {  	s3 =	sld [smem:$0x3FFD];
	_ =	sdelay $0x3  }
0x96: {  	_ =	strace s3  }
0x97: {  	_ =	strace $0x8FFFFFFF  }
0x98: {  	s19 =	sld [smem:$0x3FDB];
	_ =	sdelay $0x1  }
0x99: {  	s4 =	simm.s32 $_scs_section_size  }
0x9a: {  	s5 =	simm.s32 $_size__tile_overlayer_lowered;
	s6 =	simm.s32 $_tile_overlayer_lowered  }
0x9b: {  	s22 =	simm.s32 $0x1BFF;
	s21 =	sshll.u32 s6, $0x1;
	s3 =	sadd.s32 s4, s19  }
0x9c: {  	s7 =	simm.s32 $0x0;
	s20 =	sshll.u32 s5, $0x1;
	s5 =	sadd.s32 s21, s3  }
0x9d: {  	[timem:s7], [sflag:s22] =	dma.local [hbm:s5], s20  }
0x9e: {  	_ =	swait.ge [sflag:s22], s20  }
0x9f: {  	s4 =	ssub.s32 $0x0, s20;
	[sflag:s22] =	ssyncset.done $0x0  }
0xa0: {  	[sflag:s22] =	ssyncadd.s32 s4;
	_ =	sdelay $0x1  }
0xa1: {  	s23 =	simm.s32 $0x1B8B  }
0xa2: {  	_ =	swait.ge [sflag:s23], $0x1  }
0xa3: {  	[sflag:s23] =	ssyncset.done $0x0  }
0xa4: {  	s25 =	simm.s32 $0x1B8E;
	s24 =	sld [smem:$0x3FFE];
	[sflag:s23] =	ssyncadd.s32 $0xFFFFFFFF  }
0xa5: {  	s26 =	simm.s32 $execute0_lowered;
	[smem:$0x3FD2] =	sst s25  }
0xa6: {  	s5 =	sshll.u32 s26, $0x1;
	_ =	strace $0x80000046;
	[dreg:$0x1] =	wrdreg $0xFFFFFFFF  }
0xa7: {  	s28 =	simm.s32 $_size_execute0_lowered;
	s3 =	sadd.s32 s3, s5;
	[dreg:$0x0] =	wrdreg $0x0  }
0xa8: {  	s5 =	sshll.u32 s28, $0x1;
	[dreg:$0x2] =	wrdreg s3  }
0xa9: {  	[dreg:$0x3] =	wrdreg s5  }
0xaa: {  	[dreg:$0x4] =	wrdreg $0xC0  }
0xab: {  	_ =	task [dreg:s7], $0x5FFFF  }
0xac: {  	[dreg:$0x1] =	wrdreg $0xFFFFFFFF  }
0xad: {  	[dreg:$0x0] =	wrdreg $0x60  }
0xae: {  	[dreg:$0x2] =	wrdreg s24  }
0xaf: {  	[dreg:$0x3] =	wrdreg s2  }
0xb0: {  	[dreg:$0x4] =	wrdreg $0x9  }
0xb1: {  	_ =	task.clear_ibuf [dreg:s7], $0x5FFFF;
	_ =	strace $0x90000046  }
0xb2: {  	s29 =	simm.s32 $0x9;
	_ =	strace $0x80000048  }
0xb3: {  	_ =	swait.ge [sflag:s29], $0x1  }
0xb4: {  	[sflag:s29] =	ssyncadd.s32 $0xFFFFFFFF  }
0xb5: {  	_ =	strace $0x90000048  }
0xb6: {  	_ =	sfence  }
0xb7: {  	s30 =	sld [smem:$0x0];
	_ =	sdelay $0x2  }
0xb8: {  	s31 =	sshll.u32 s1, $0xD;
	s1 =	sshrl.u32 s1, $0x2  }
0xb9: {  	s3 =	sand.u32 $0x4000, s31;
	s1 =	sadd.s32 s1, s30  }
0xba: {  	s0 =	sor.u32 s3, s0;
	s1 =	sshll.u32 s1, $0x11  }
0xbb: {  	s0 =	sor.u32 s1, s0  }
0xbc: {  	s0 =	sadd.s32 $0x8F2B, s0  }
0xbd: {  	[sflag:s0] =	ssyncadd.remote.s32 $0x1  }
0xbe: {  	_ =	sfence.sel $0xFFFF  }
0xbf: {  	[dreg:$0x0] =	wrdreg $0xFFFFFFFF;
	(pc) =	sbr.abs _section_cstart, $3  }
0xc0: {  	[dreg:$0x1] =	wrdreg $0xFFFFFFFF  }
0xc1: {  	_ =	task.clear_ibuf [dreg:s7], $0x2FFFF;
	_ =	strace $0x9FFFFFFF  }
0xc2: {  	(tm) =	ssettm $0x7FFFFFFF  }
0xc3: {  	_ =	shalt  }
tec
execute0_lowered:
.L_overlay_start_1:
0x0: {  	(tag) =	ssettag $0x1  }
0x1: {  	s0 =	srdreg.scid  }
0x2: {  	s9 =	stileid.u32;
	s3 =	rddreg [dreg:$0x0]  }
0x3: {  	s6 =	rddreg [dreg:$0x1];
	s2 =	simm.s32 $0x0;
	s10 =	simm.s32 $0xB  }
0x4: {  	s11 =	simm.s32 $0x80;
	s12 =	simm.s32 $0x1900;
	s13 =	simm.s32 $0x3900  }
0x5: {  	s15 =	simm.s32 $0x5900;
	s17 =	simm.s32 $0x7900;
	s19 =	simm.s32 $0x9900  }
0x6: {  	s20 =	simm.s32 $0x1;
	s28 =	simm.s32 $0x8;
	s29 =	simm.s32 $0x9  }
0x7: {  	s30 =	simm.s32 $0xA;
	s31 =	simm.s32 $0x0;
	s4 =	smul.u32 $0x64, s9  }
0x8: {  	s0 =	sand.u32 $0x1, s0;
	s1 =	sshll.u32 s9, $0x1;
	s23 =	smul.u32 $0x19000, s9  }
0x9: {  	[smem:$0x7FF] =	sst s2;
	s1 =	sor.u32 s0, s1;
	s5 =	smul.u32 $0x32, s0  }
0xa: {  	_ =	strace $0x80000047;
	s7 =	ssub.s32 $0x2, s0;
	s1 =	smul.u32 $0x320, s1  }
0xb: {  	s25 =	smul.u32 $0xC800, s0;
	s8 =	sshrl.u32 s7, $0x1;
	s4 =	sadd.s32 s5, s4  }
0xc: {  	s21 =	ssub.s32 s7, s8;
	s1 =	sadd.s32 s1, s3;
	s3 =	sadd.s32 $0xF42E00, s3  }
0xd: {  	s22 =	sshll.u32 s4, $0xA;
	s26 =	smax.u32 s21, $0x1;
	s21 =	simm.s32 $0x2  }
.Ltmp0:
0xe: {  	s1 =	sadd.s32 $0xA00, s1;
	s24 =	sadd.s32 s22, s6;
	(pc) =	sbr.rel .LBB2_1-.Ltmp0, $4  }
0xf: {  	[dreg:$0x4] =	wrdreg s26;
	s6 =	sadd.s32 s23, s6;
	s22 =	simm.s32 $0x3  }
0x10: {  	s23 =	simm.s32 $0x4;
	s26 =	simm.s32 $0x7;
	[dreg:$0x3] =	wrdreg s1  }
0x11: {  	s16 =	sadd.s32 $0x1000, s24;
	s14 =	sadd.s32 $0xC00, s24;
	s0 =	sadd.s32 $0x400, s24  }
0x12: {  	s1 =	sadd.s32 s25, s6;
	s24 =	simm.s32 $0x5;
	s25 =	simm.s32 $0x6  }
.LBB2_4:
0x13: {  	_ =	swait.ge [sflag:s26], $0x2000  }
0x14: {  	[sflag:s26] =	ssyncset.done $0x0  }
0x15: {  	[sflag:s26] =	ssyncadd.s32 $0xFFFFE000  }
0x16: {  	_ =	swait.ge [sflag:s28], $0x2000  }
0x17: {  	[sflag:s28] =	ssyncset.done $0x0  }
0x18: {  	[sflag:s28] =	ssyncadd.s32 $0xFFFFE000  }
0x19: {  	_ =	swait.ge [sflag:s29], $0x2000  }
0x1a: {  	[sflag:s29] =	ssyncset.done $0x0  }
0x1b: {  	[sflag:s29] =	ssyncadd.s32 $0xFFFFE000  }
0x1c: {  	_ =	swait.ge [sflag:s30], $0x2000  }
0x1d: {  	s31 =	sadd.s32 $0x1, s31;
	s4 =	rddreg [dreg:$0x4]  }
0x1e: {  	p0 =	sne.s32 s31, s4  }
.Ltmp1:
0x1f: {  	_ = 	snop;
	(pc) =	sbr.rel @!p0 .LBB2_5-.Ltmp1, $3  }
0x20: {  	_ =	sdelay $0x1  }
0x21: {  	[sflag:s30] =	ssyncset.done $0x0  }
0x22: {  	[sflag:s30] =	ssyncadd.s32 $0xFFFFE000  }
.LBB2_1:
0x23: {  	s4 =	rddreg [dreg:$0x3]  }
0x24: {  	[tilespmem:s2], [sflag:$0xB] =	stream.linear.gather [hbm4b:s4+s2], $0x1900, $0x38;
	[tilespmem:$0xB900] =	vst v63  }
0x25: {  	_ =	swait.ge [sflag:s10], $0x1900  }
0x26: {  	[sflag:s10] =	ssyncset.done $0x0  }
0x27: {  	[sflag:s10] =	ssyncadd.s32 $0xFFFFE700  }
0x28: {  	[tilespmem:s12], [sflag:$0x1] =	stream.indirect.gather [hbm4b:s3+s11], $0x40, s2, s11, $0xb8;
	[tilespmem:$0xB900] =	vst v63  }
0x29: {  	_ = 	snop  }
0x2a: {  	[tilespmem:s13], [sflag:$0x2] =	stream.indirect.gather [hbm4b:s3+s11], $0x40, s11, s11, $0xb8;
	[tilespmem:$0xB900] =	vst v63  }
0x2b: {  	s8 =	simm.s32 $0x100  }
0x2c: {  	[tilespmem:s15], [sflag:$0x3] =	stream.indirect.gather [hbm4b:s3+s11], $0x40, s8, s11, $0xb8;
	[tilespmem:$0xB900] =	vst v63  }
0x2d: {  	s9 =	simm.s32 $0x180  }
0x2e: {  	[tilespmem:s17], [sflag:$0x4] =	stream.indirect.gather [hbm4b:s3+s11], $0x40, s9, s11, $0xb8;
	[tilespmem:$0xB900] =	vst v63  }
0x2f: {  	s18 =	simm.s32 $0x200;
	s7 =	smov.u32 s14;
	s6 =	smov.u32 s16  }
0x30: {  	[tilespmem:s19], [sflag:$0x5] =	stream.indirect.gather [hbm4b:s3+s11], $0x40, s18, s11, $0xb8;
	[tilespmem:$0xB900] =	vst v63  }
0x31: {  	s8 =	smov.u32 s0;
	s9 =	smov.u32 s1;
	s18 =	simm.s32 $0x0  }
.LBB2_2:
0x32: {  	_ =	swait.ge [sflag:s20], $0x2000  }
0x33: {  	[sflag:s20] =	ssyncset.done $0x0  }
0x34: {  	[sflag:s20] =	ssyncadd.s32 $0xFFFFE000  }
0x35: {  	[hbm4b:s9+s2] =	stream.linear.scatter [tilespmem:s12], [sflag:$0x6], $0x2000, $0x38;
	[tilespmem:$0xB900] =	vst v63  }
0x36: {  	_ =	swait.ge [sflag:s21], $0x2000  }
0x37: {  	[sflag:s21] =	ssyncset.done $0x0  }
0x38: {  	[sflag:s21] =	ssyncadd.s32 $0xFFFFE000  }
0x39: {  	[hbm4b:s8+s2] =	stream.linear.scatter [tilespmem:s13], [sflag:$0x7], $0x2000, $0x38;
	[tilespmem:$0xB900] =	vst v63  }
0x3a: {  	_ =	swait.ge [sflag:s22], $0x2000  }
0x3b: {  	[sflag:s22] =	ssyncset.done $0x0  }
0x3c: {  	s4 =	sadd.s32 $0xFFFFFC00, s7;
	[sflag:s22] =	ssyncadd.s32 $0xFFFFE000  }
0x3d: {  	[hbm4b:s4+s2] =	stream.linear.scatter [tilespmem:s15], [sflag:$0x8], $0x2000, $0x38;
	[tilespmem:$0xB900] =	vst v63  }
0x3e: {  	_ =	swait.ge [sflag:s23], $0x2000  }
0x3f: {  	[sflag:s23] =	ssyncset.done $0x0  }
0x40: {  	[sflag:s23] =	ssyncadd.s32 $0xFFFFE000  }
0x41: {  	[hbm4b:s7+s2] =	stream.linear.scatter [tilespmem:s17], [sflag:$0x9], $0x2000, $0x38;
	[tilespmem:$0xB900] =	vst v63  }
0x42: {  	_ =	swait.ge [sflag:s24], $0x2000  }
0x43: {  	p0 =	seq.s32 s18, $0x5A00;
	[sflag:s24] =	ssyncset.done $0x0  }
.Ltmp2:
0x44: {  	[sflag:s24] =	ssyncadd.s32 $0xFFFFE000;
	(pc) =	sbr.rel @p0 .LBB2_4-.Ltmp2, $4  }
0x45: {  	[hbm4b:s6+s2] =	stream.linear.scatter [tilespmem:s19], [sflag:$0xA], $0x2000, $0x38;
	[tilespmem:$0xB900] =	vst v63  }
0x46: {  	_ =	swait.ge [sflag:s25], $0x2000  }
0x47: {  	[sflag:s25] =	ssyncset.done $0x0  }
0x48: {  	[sflag:s25] =	ssyncadd.s32 $0xFFFFE000  }
0x49: {  	s4 =	sshra.s32 s18, $0x2  }
0x4a: {  	s5 =	sadd.s32 $0x280, s4  }
0x4b: {  	[tilespmem:s12], [sflag:$0x1] =	stream.indirect.gather [hbm4b:s3+s11], $0x40, s5, s11, $0xb8;
	[tilespmem:$0xB900] =	vst v63  }
0x4c: {  	_ =	swait.ge [sflag:s26], $0x2000  }
0x4d: {  	[sflag:s26] =	ssyncset.done $0x0  }
0x4e: {  	s5 =	sadd.s32 $0x300, s4;
	[sflag:s26] =	ssyncadd.s32 $0xFFFFE000  }
0x4f: {  	[tilespmem:s13], [sflag:$0x2] =	stream.indirect.gather [hbm4b:s3+s11], $0x40, s5, s11, $0xb8;
	[tilespmem:$0xB900] =	vst v63  }
0x50: {  	_ =	swait.ge [sflag:s28], $0x2000  }
0x51: {  	[sflag:s28] =	ssyncset.done $0x0  }
0x52: {  	s5 =	sadd.s32 $0x380, s4;
	[sflag:s28] =	ssyncadd.s32 $0xFFFFE000  }
0x53: {  	[tilespmem:s15], [sflag:$0x3] =	stream.indirect.gather [hbm4b:s3+s11], $0x40, s5, s11, $0xb8;
	[tilespmem:$0xB900] =	vst v63  }
0x54: {  	_ =	swait.ge [sflag:s29], $0x2000  }
0x55: {  	[sflag:s29] =	ssyncset.done $0x0  }
0x56: {  	s5 =	sadd.s32 $0x400, s4;
	[sflag:s29] =	ssyncadd.s32 $0xFFFFE000  }
0x57: {  	[tilespmem:s17], [sflag:$0x4] =	stream.indirect.gather [hbm4b:s3+s11], $0x40, s5, s11, $0xb8;
	[tilespmem:$0xB900] =	vst v63  }
.Ltmp3:
0x58: {  	_ = 	snop;
	(pc) =	sbr.rel .LBB2_2-.Ltmp3, $4  }
0x59: {  	s18 =	sadd.s32 $0xA00, s18;
	s6 =	sadd.s32 $0x1400, s6;
	_ =	swait.ge [sflag:s30], $0x2000  }
0x5a: {  	s7 =	sadd.s32 $0x1400, s7;
	s8 =	sadd.s32 $0x1400, s8;
	[sflag:s30] =	ssyncset.done $0x0  }
0x5b: {  	s9 =	sadd.s32 $0x1400, s9;
	s4 =	sadd.s32 $0x480, s4;
	[sflag:s30] =	ssyncadd.s32 $0xFFFFE000  }
0x5c: {  	[tilespmem:s19], [sflag:$0x5] =	stream.indirect.gather [hbm4b:s3+s11], $0x40, s4, s11, $0xb8;
	[tilespmem:$0xB900] =	vst v63  }
.LBB2_5:
0x5d: {  	_ =	sfence.sel $0x180000  }
0x5e: {  	[bflag:$0x0] =	sbarrier.arrive $0xFFFF  }
0x5f: {  	_ =	strace $0x90000047  }
0x60: {  	s0 =	stileid.u32;
	[bflag:$0x2] =	sbarrier.arrive $0xFFFF  }
0x61: {  	p0 =	sne.s32 s0, $0x0;
	s0 =	rddreg [dreg:$0x2]  }
0x62: {  	s0 =	sadd.s32 @!p0 $0x100000, s0  }
0x63: {  	[sflag:s0] =	ssyncadd.tile.s32 @!p0 $0x1;
	_ =	shalt  }
.Lfunc_end2:
_tile_overlayer_lowered:
.L_overlay_start_2:
0x64: {  	(tag) =	ssettag $0x2  }
0x65: {  	s0 =	rddreg [dreg:$0x0];
	s2 =	stileid.u32  }
0x66: {  	s1 =	rddreg [dreg:$0x1];
	p0 =	sne.s32 s2, $0x0  }
0x67: {  	s3 =	rddreg [dreg:$0x2];
	[bflag:$0x3] =	sbarrier.arrive $0xFFFF;
	s2 =	simm.s32 @!p0 $0x1C0B  }
0x68: {  	[timem:s3], [sflag:s2] =	dma.local @!p0 [hbm:s0], s1  }
0x69: {  	s0 =	simm.s32 @!p0 $0xB  }
0x6a: {  	_ =	swait.ge @!p0 [sflag:s0], s1  }
0x6b: {  	s1 =	ssub.s32 @!p0 $0x0, s1;
	[sflag:s0] =	ssyncset.done @!p0 $0x0  }
0x6c: {  	[sflag:s0] =	ssyncadd.s32 @!p0 s1  }
0x6d: {  	[bflag:$0x3] =	sbarrier.arrive $0xFFFF  }
0x6e: {  	_ =	shalt  }

// kernel: sparse-core-data-format-call.cloned.1.call-start
scs
called_computation_lowered:
.L_overlay_start_0:
0x0: {  	s2 =	sld [smem:$0x3FD9]  }
0x1: {  	s3 =	sld [smem:$0x3FFE];
	_ =	sdelay $0x1  }
0x2: {  	s1 =	srdreg.scid  }
0x3: {  	s0 =	sand.u32 $0x1, s1  }
0x4: {  	s18 =	sshll.u32 s0, $0xA;
	s2 =	sadd.s32 s3, s2  }
0x5: {  	s2 =	sadd.s32 s2, s18  }
0x6: {  	[smem:$0x3FC6] =	sst s2  }
0x7: {  	_ = 	snop  }
0x8: {  	s2 =	sld [smem:$0x3FD0];
	(tm) =	ssettm $0x1  }
0x9: {  	s19 =	sld [smem:$0x3FFB];
	_ =	sdelay $0x3  }
0xa: {  	_ =	strace s19  }
0xb: {  	s3 =	sld [smem:$0x3FFC];
	_ =	sdelay $0x3  }
0xc: {  	_ =	strace s3  }
0xd: {  	s3 =	sld [smem:$0x3FFD];
	_ =	sdelay $0x3  }
0xe: {  	_ =	strace s3  }
0xf: {  	_ =	strace $0x8FFFFFFF  }
0x10: {  	s20 =	sld [smem:$0x3FDB];
	_ =	sdelay $0x1  }
0x11: {  	s4 =	simm.s32 $_scs_section_size  }
0x12: {  	s5 =	simm.s32 $_size__tile_overlayer_lowered;
	s6 =	simm.s32 $_tile_overlayer_lowered  }
0x13: {  	s23 =	simm.s32 $0x1BFF;
	s22 =	sshll.u32 s6, $0x1;
	s3 =	sadd.s32 s4, s20  }
0x14: {  	s7 =	simm.s32 $0x0;
	s21 =	sshll.u32 s5, $0x1;
	s5 =	sadd.s32 s22, s3  }
0x15: {  	[timem:s7], [sflag:s23] =	dma.local [hbm:s5], s21  }
0x16: {  	_ =	swait.ge [sflag:s23], s21  }
0x17: {  	s4 =	ssub.s32 $0x0, s21;
	[sflag:s23] =	ssyncset.done $0x0  }
0x18: {  	[sflag:s23] =	ssyncadd.s32 s4;
	_ =	sdelay $0x1  }
0x19: {  	s24 =	simm.s32 $0x1B8B  }
0x1a: {  	_ =	swait.ge [sflag:s24], $0x1  }
0x1b: {  	[sflag:s24] =	ssyncset.done $0x0  }
0x1c: {  	s26 =	simm.s32 $0x1B8E;
	s25 =	sld [smem:$0x3FFE];
	[sflag:s24] =	ssyncadd.s32 $0xFFFFFFFF  }
0x1d: {  	s27 =	simm.s32 $execute0_lowered;
	[smem:$0x3FD2] =	sst s26  }
0x1e: {  	s5 =	sshll.u32 s27, $0x1;
	_ =	strace $0x80000049;
	[dreg:$0x1] =	wrdreg $0xFFFFFFFF  }
0x1f: {  	s28 =	simm.s32 $_size_execute0_lowered;
	s3 =	sadd.s32 s3, s5;
	[dreg:$0x0] =	wrdreg $0x0  }
0x20: {  	s5 =	sshll.u32 s28, $0x1;
	[dreg:$0x2] =	wrdreg s3  }
0x21: {  	[dreg:$0x3] =	wrdreg s5  }
0x22: {  	[dreg:$0x4] =	wrdreg $0xC0  }
0x23: {  	_ =	task [dreg:s7], $0x5FFFF  }
0x24: {  	[dreg:$0x1] =	wrdreg $0xFFFFFFFF  }
0x25: {  	[dreg:$0x0] =	wrdreg $0x60  }
0x26: {  	[dreg:$0x2] =	wrdreg s25  }
0x27: {  	[dreg:$0x3] =	wrdreg s2  }
0x28: {  	[dreg:$0x4] =	wrdreg $0x9  }
0x29: {  	_ =	task.clear_ibuf [dreg:s7], $0x5FFFF;
	_ =	strace $0x90000049  }
0x2a: {  	s29 =	simm.s32 $0x9;
	_ =	strace $0x8000004B  }
0x2b: {  	_ =	swait.ge [sflag:s29], $0x1  }
0x2c: {  	[sflag:s29] =	ssyncadd.s32 $0xFFFFFFFF  }
0x2d: {  	_ =	strace $0x9000004B  }
0x2e: {  	_ =	sfence  }
0x2f: {  	s30 =	sld [smem:$0x0];
	_ =	sdelay $0x2  }
0x30: {  	s31 =	sshll.u32 s1, $0xD;
	s1 =	sshrl.u32 s1, $0x2  }
0x31: {  	s3 =	sand.u32 $0x4000, s31;
	s1 =	sadd.s32 s1, s30  }
0x32: {  	s0 =	sor.u32 s3, s0;
	s1 =	sshll.u32 s1, $0x11  }
0x33: {  	s0 =	sor.u32 s1, s0  }
0x34: {  	s0 =	sadd.s32 $0x8F2B, s0  }
0x35: {  	[sflag:s0] =	ssyncadd.remote.s32 $0x1  }
0x36: {  	_ =	sfence.sel $0xFFFF  }
0x37: {  	[dreg:$0x0] =	wrdreg $0xFFFFFFFF;
	(pc) =	sbr.abs _section_cstart, $3  }
0x38: {  	[dreg:$0x1] =	wrdreg $0xFFFFFFFF  }
0x39: {  	_ =	task.clear_ibuf [dreg:s7], $0x2FFFF;
	_ =	strace $0x9FFFFFFF  }
0x3a: {  	(tm) =	ssettm $0x7FFFFFFF  }
0x3b: {  	_ =	shalt  }
tec
execute0_lowered:
.L_overlay_start_1:
0x0: {  	(tag) =	ssettag $0x1  }
0x1: {  	s0 =	srdreg.scid  }
0x2: {  	s1 =	sshll.u32 s0, $0x4  }
0x3: {  	s0 =	stileid.u32;
	s1 =	sand.u32 $0x10, s1  }
0x4: {  	s1 =	sor.u32 s0, s1  }
0x5: {  	s6 =	rddreg [dreg:$0x0];
	s4 =	simm.s32 $0x1;
	s2 =	sshll.u32 s1, $0x7  }
0x6: {  	s7 =	simm.s32 $0x2;
	s12 =	simm.s32 $0x0;
	s1 =	ssub.s32 $0x1000, s2  }
0x7: {  	s8 =	simm.s32 $0x8000;
	s13 =	simm.s32 $0x0;
	s3 =	sand.u32 $0xF80, s1  }
0x8: {  	s9 =	simm.s32 $0x0;
	s5 =	sshrl.u32 s1, $0xC;
	p0 =	sne.s32 s3, $0x0  }
.Ltmp0:
0x9: {  	s1 =	rddreg [dreg:$0x2];
	s4 =	simm.s32 @!p0 $0x0;
	(pc) =	sbr.rel .LBB1_1-.Ltmp0, $4  }
0xa: {  	s11 =	simm.s32 $0x0;
	s3 =	rddreg [dreg:$0x1];
	s5 =	sadd.s32 s4, s5  }
0xb: {  	_ =	strace $0x8000004A;
	s4 =	simm.s32 $0x1;
	s5 =	smul.u32 $0x32, s5  }
0xc: {  	s6 =	sadd.s32 $0xA00, s6;
	s10 =	smov.u32 s2;
	[sflag:s4] =	ssyncpa.u1 $0x0  }
0xd: {  	p0 =	por $0x0, $0x0;
	[sflag:s7] =	ssyncpa.u1 $0x0;
	s7 =	sor.u32 $0x1, s5  }
.LBB1_4:
0xe: {  	s16 =	sshll.u32 s13, $0x3;
	s17 =	sand.u32 $0x78, s13  }
0xf: {  	s30 =	sand.u32 $0x7E00, s13;
	s12 =	sshll.u32 s12, $0xF;
	s16 =	sand.u32 $0xC00, s16  }
0x10: {  	[tilespmem:s15+$0x810 ss:$0x81] =	vst.msk $0xffff, v2;
	s31 =	sand.u32 $0x7, s13;
	s16 =	sor.u32 s17, s16;
	s17 =	sadd.s32 s3, s30  }
0x11: {  	[tilespmem:s15+$0x1020 ss:$0x81] =	vst.msk $0xffff, v0;
	s13 =	sshll.u32 s31, $0x12;
	s12 =	sadd.s32 s12, s17;
	s16 =	sshrl.u32 s16, $0x3  }
0x12: {  	[tilespmem:s15+$0x0 ss:$0x81] =	vst.msk $0xffff, v1;
	s13 =	sor.u32 $0x400, s13;
	s12 =	sadd.s32 s16, s12  }
0x13: {  	[hbm4b:s12+s13] =	stream.strided.scatter [tilespmem:s14], [sflag:$0x2], $0x2000, s8, s13, $0x20;
	[tilespmem:$0x8080] =	vst v63  }
.LBB1_5:
0x14: {  	s14 =	sadd.s32 $0x1, s9  }
0x15: {  	s12 =	sadd.s32 $0x1000, s10;
	s16 =	smov.u32 s10;
	p2 =	sgt.s32 s14, $0x31  }
0x16: {  	s16 =	smov.u32 @p2 s12  }
0x17: {  	s14 =	simm.s32 @p2 $0x0;
	p2 =	sgt.s32 s16, $0xFFF  }
0x18: {  	s16 =	smov.u32 @p2 s2;
	p2 =	sne.s32 s11, s7  }
.Ltmp1:
0x19: {  	p1 =	slt.u32 s11, $0x2;
	(pc) =	sbr.rel @!p2 .LBB1_6-.Ltmp1, $4  }
0x1a: {  	s15 =	simm.s32 @!p1 $0x2  }
0x1b: {  	s13 =	smov.u32 s10;
	p0 =	por !p0, !p0;
	_ =	swait.ge @!p1 [sflag:s15], $0x2000  }
0x1c: {  	s12 =	smov.u32 s9;
	[sflag:s15] =	ssyncset.done @!p1 $0x0;
	s9 =	smov.u32 s14  }
0x1d: {  	s11 =	sadd.s32 $0x1, s11;
	[sflag:s15] =	ssyncadd.s32 @!p1 $0xFFFFE000;
	s10 =	smov.u32 s16  }
.LBB1_1:
0x1e: {  	p1 =	sge.u32 s11, s5  }
0x1f: {  	s14 =	sand.u32 @!p1 $0x1FFFFFF, s9  }
0x20: {  	s15 =	smulhi.u32 @!p1 $0x4924925, s14;
	_ =	sdelay $0x1  }
0x21: {  	s15 =	smul.u32 @!p1 $0x38, s15  }
0x22: {  	s16 =	sxor.u32 @!p1 $0xFFFFFFFF, s11;
	s17 =	smul.u32 @!p1 $0x380, s10  }
0x23: {  	s31 =	sadd.s32 $0xFFFFFFFF, s11;
	s16 =	sshll.u32 @!p1 s16, $0xD;
	s14 =	ssub.s32 @!p1 s14, s15  }
0x24: {  	s15 =	sand.u32 @!p1 $0x2000, s16;
	s16 =	sadd.s32 @!p1 s6, s17;
	s14 =	sshll.u32 @!p1 s14, $0x4  }
0x25: {  	s17 =	simm.s32 @!p1 $0x1C00;
	s14 =	sadd.s32 @!p1 s14, s16;
	s16 =	simm.s32 @!p1 $0x40  }
0x26: {  	[tilespmem:s15], [sflag:$0x1] =	stream.strided.gather @!p1 [hbm4b:s14+s16], $0x2000, s17, s16, $0x38;
	[tilespmem:$0x8080] =	vst v63  }
0x27: {  	p1 =	sge.u32 s31, s5  }
.Ltmp2:
0x28: {  	_ = 	snop;
	(pc) =	sbr.rel @p1 .LBB1_5-.Ltmp2, $1  }
0x29: {  	_ =	sdelay $0x3  }
0x2a: {  	s14 =	simm.s32 $0x1  }
0x2b: {  	_ =	swait.ge [sflag:s4], $0x2000;
	s14 =	simm.s32 @!p0 $0x0  }
0x2c: {  	[sflag:s4] =	ssyncset.done $0x0;
	s15 =	sshll.u32 s14, $0xD  }
0x2d: {  	[sflag:s4] =	ssyncadd.s32 $0xFFFFE000;
	s18 =	sor.u32 $0x20, s15  }
0x2e: {  	s14 =	smul.u32 $0x8100, s14;
	v3 =	vld [tilespmem:s18+$0x10]  }
0x2f: {  	s30 =	sand.u32 $0x1, s11;
	v2 =	vld [tilespmem:s18+$0xFFFFFFF0]  }
0x30: {  	s15 =	smul.u32 $0x8100, s30;
	s14 =	sshrl.u32 s14, $0x2;
	v0 =	vld [tilespmem:s18+$0x0]  }
0x31: {  	v1 =	vld [tilespmem:s18+$0xFFFFFFE0];
	s16 =	sor.u32 $0x4000, s14  }
0x32: {  	s31 =	sshrl.u32 s15, $0x2;
	s15 =	sadd.s32 $0x0, s16  }
0x33: {  	s17 =	simm.s32 $0x4;
	s18 =	sadd.s32 $0x40, s18;
	s14 =	sor.u32 $0x4000, s31;
	[tilespmem:s15+$0x1830 ss:$0x81] =	vst.msk $0xffff, v3  }
.LBB1_3:
0x34: {  	v3 =	vld [tilespmem:s18+$0x10];
	p1 =	sne.s32 s17, $0x1FC;
	[tilespmem:s15+$0x810 ss:$0x81] =	vst.msk $0xffff, v2;
	s19 =	smov.u32 s17;
	s17 =	sadd.s32 $0x4, s17  }
.Ltmp3:
0x35: {  	v2 =	vld [tilespmem:s18+$0xFFFFFFF0];
	[tilespmem:s15+$0x1020 ss:$0x81] =	vst.msk $0xffff, v0;
	(pc) =	sbr.rel @p1 .LBB1_3-.Ltmp3, $4  }
0x36: {  	v0 =	vld [tilespmem:s18+$0x0];
	[tilespmem:s15+$0x0 ss:$0x81] =	vst.msk $0xffff, v1  }
0x37: {  	s15 =	sshra.s32 s19, $0x2;
	v1 =	vld [tilespmem:s18+$0xFFFFFFE0]  }
0x38: {  	s15 =	sadd.s32 s15, s16  }
0x39: {  	s18 =	sadd.s32 $0x40, s18;
	[tilespmem:s15+$0x1830 ss:$0x81] =	vst.msk $0xffff, v3  }
.Ltmp4:
0x3a: {  	_ = 	snop;
	(pc) =	sbr.rel .LBB1_4-.Ltmp4, $1  }
0x3b: {  	_ =	sdelay $0x3  }
.LBB1_6:
0x3c: {  	_ =	sfence.sel $0x180000  }
0x3d: {  	s2 =	simm.s32 $0x1;
	[bflag:$0x0] =	sbarrier.arrive $0xFFFF  }
0x3e: {  	s31 =	simm.s32 $0x2;
	[sflag:s2] =	ssyncpa.u1 $0x1  }
0x3f: {  	[sflag:s31] =	ssyncpa.u1 $0x1  }
0x40: {  	p0 =	sne.s32 s0, $0x0;
	_ =	strace $0x9000004A  }
0x41: {  	s0 =	sadd.s32 @!p0 $0x100000, s1;
	[bflag:$0x2] =	sbarrier.arrive $0xFFFF  }
0x42: {  	[sflag:s0] =	ssyncadd.tile.s32 @!p0 $0x1;
	_ =	shalt  }
.Lfunc_end1:
_tile_overlayer_lowered:
.L_overlay_start_2:
0x43: {  	(tag) =	ssettag $0x2  }
0x44: {  	s0 =	rddreg [dreg:$0x0];
	s2 =	stileid.u32  }
0x45: {  	s1 =	rddreg [dreg:$0x1];
	p0 =	sne.s32 s2, $0x0  }
0x46: {  	s3 =	rddreg [dreg:$0x2];
	[bflag:$0x3] =	sbarrier.arrive $0xFFFF;
	s2 =	simm.s32 @!p0 $0x1C01  }
0x47: {  	[timem:s3], [sflag:s2] =	dma.local @!p0 [hbm:s0], s1  }
0x48: {  	s0 =	simm.s32 @!p0 $0x1  }
0x49: {  	_ =	swait.ge @!p0 [sflag:s0], s1  }
0x4a: {  	s1 =	ssub.s32 @!p0 $0x0, s1;
	[sflag:s0] =	ssyncset.done @!p0 $0x0  }
0x4b: {  	[sflag:s0] =	ssyncadd.s32 @!p0 s1  }
0x4c: {  	[bflag:$0x3] =	sbarrier.arrive $0xFFFF  }
0x4d: {  	_ =	shalt  }

</sc_bundles>
